<compile_context>
chip_gen: v7x
topology: tpu7x:2x2x1
jax: 0.10.2.dev20260603
libtpu: 0.0.44.dev20260713+nightly
codegen_flags: <defaults>
</compile_context>

<pallas_src>
import functools

import jax
import jax.numpy as jnp
import numpy as np
from jax.experimental import pallas as pl

B = 16
D = 9
HID = 128
TOTAL = B * (2 ** (D + 1) - 1)


def _level_offset(l: int) -> int:
    return B * (2 ** l - 1)


@functools.lru_cache(maxsize=1)
def _perm() -> np.ndarray:
    parts = []
    sig = np.arange(B, dtype=np.int32)
    parts.append(_level_offset(0) + sig)
    for l in range(1, D + 1):
        sig = np.concatenate([2 * sig, 2 * sig + 1])
        parts.append(_level_offset(l) + sig)
    return np.concatenate(parts)


def _tree_lstm_body(x_ref, wx_ref, bx_ref, wh_ref, wout_ref, bout_ref, out_ref):
    f32 = jnp.float32
    wx = wx_ref[:]
    bx = bx_ref[:]
    wh = wh_ref[:]

    nl = B * 2 ** D
    x = x_ref[_level_offset(D):_level_offset(D) + nl, :]
    g = jnp.dot(x, wx[:, HID:], preferred_element_type=f32) + bx[:, HID:]
    i = jax.nn.sigmoid(g[:, :HID])
    o = jax.nn.sigmoid(g[:, HID:2 * HID])
    u = jnp.tanh(g[:, 2 * HID:])
    c = i * u
    h = o * jnp.tanh(c)

    for l in range(D - 1, -1, -1):
        nl = B * 2 ** l
        off = _level_offset(l)
        x = x_ref[off:off + nl, :]
        gx = jnp.dot(x, wx, preferred_element_type=f32) + bx
        gh = jnp.dot(h, wh, preferred_element_type=f32)
        f_e = jax.nn.sigmoid(gx[:, :HID] + gh[:nl, :HID])
        f_o = jax.nn.sigmoid(gx[:, :HID] + gh[nl:, :HID])
        fc_sum = f_e * c[:nl] + f_o * c[nl:]
        ghs = gh[:nl, HID:] + gh[nl:, HID:]
        i = jax.nn.sigmoid(gx[:, HID:2 * HID] + ghs[:, :HID])
        o = jax.nn.sigmoid(gx[:, 2 * HID:3 * HID] + ghs[:, HID:2 * HID])
        u = jnp.tanh(gx[:, 3 * HID:] + ghs[:, 2 * HID:])
        c = i * u + fc_sum
        h = o * jnp.tanh(c)

    out_ref[:] = (jnp.dot(h, wout_ref[:], preferred_element_type=f32)
                  + bout_ref[:])


def kernel(embeds, W_ix, b_i, W_ih, W_fx, b_f, W_fh, W_ox, b_o, W_oh,
           W_ux, b_u, W_uh, W_out, b_out):
    x_perm = jnp.take(embeds, jnp.asarray(_perm()), axis=0)
    wx = jnp.concatenate([W_fx, W_ix, W_ox, W_ux], axis=1)
    bx = jnp.concatenate([b_f, b_i, b_o, b_u])[None, :]
    wh = jnp.concatenate([W_fh, W_ih, W_oh, W_uh], axis=1)
    return pl.pallas_call(
        _tree_lstm_body,
        out_shape=jax.ShapeDtypeStruct((B, W_out.shape[1]), jnp.float32),
    )(x_perm, wx, bx, wh, W_out, b_out[None, :])

# --- scband reference (transcript-rebuilt; emitter-appended) ---
"""Pipeline reference for scband-batch-child-sum-tree-lstm-67302137528486 (READ-ONLY COPY).

The authoritative reference and input builder live on the scoring server;
editing this copy changes nothing except your own understanding.
"""

import jax, jax.numpy as jnp
import numpy as np

IN_DIM = 128
HID = 128
NLAB = 5
B = 16   # number of trees (forest)
D = 9    # tree depth; level l has B*2**l nodes; total nodes = B*(2**(D+1)-1) = 16368


def setup_inputs(seed: int = 0) -> dict:
    key = jax.random.key(seed)
    ks = jax.random.split(key, 12)
    total = B * (2 ** (D + 1) - 1)

    def lin(k, i, o):
        return jax.random.normal(k, (i, o), jnp.float32) * 0.05

    return {
        "embeds": jax.random.normal(ks[0], (total, IN_DIM), jnp.float32),
        "W_ix": lin(ks[1], IN_DIM, HID), "b_i": jnp.zeros((HID,), jnp.float32),
        "W_ih": lin(ks[2], HID, HID),
        "W_fx": lin(ks[3], IN_DIM, HID), "b_f": jnp.zeros((HID,), jnp.float32),
        "W_fh": lin(ks[4], HID, HID),
        "W_ox": lin(ks[5], IN_DIM, HID), "b_o": jnp.zeros((HID,), jnp.float32),
        "W_oh": lin(ks[6], HID, HID),
        "W_ux": lin(ks[7], IN_DIM, HID), "b_u": jnp.zeros((HID,), jnp.float32),
        "W_uh": lin(ks[8], HID, HID),
        "W_out": jax.random.normal(ks[9], (HID, NLAB), jnp.float32) * 0.01,
        "b_out": jnp.zeros((NLAB,), jnp.float32),
    }


def reference(embeds, W_ix, b_i, W_ih, W_fx, b_f, W_fh, W_ox, b_o, W_oh,
              W_ux, b_u, W_uh, W_out, b_out):
    # Child-Sum TreeLSTM, level-batched bottom-up, matching BatchChildSumTreeLSTM.
    # Forest layout: node (level l, flat pos p) at index offset(l)+p; children of
    # parent p are contiguous at positions 2p, 2p+1 of level l+1.
    def level_offset(l):
        return B * (2 ** l - 1)

    # Deepest level: leaves. child_h/child_c are zero (torch init), f-gate path skipped.
    nl = B * 2 ** D
    x = jax.lax.dynamic_slice_in_dim(embeds, level_offset(D), nl, 0)
    i = jax.nn.sigmoid(x @ W_ix + b_i)
    o = jax.nn.sigmoid(x @ W_ox + b_o)
    u = jnp.tanh(x @ W_ux + b_u)
    c = i * u
    h = o * jnp.tanh(c)

    for l in range(D - 1, -1, -1):
        nl = B * 2 ** l
        x = jax.lax.dynamic_slice_in_dim(embeds, level_offset(l), nl, 0)
        ch_h = h.reshape(nl, 2, HID)   # gather children (contiguous layout)
        ch_c = c.reshape(nl, 2, HID)
        # torch detaches child_h for the h-sum path (child_h.detach()) but NOT
        # for the fh(child_h) forget-gate path; replicate with stop_gradient.
        h_sum = jnp.sum(jax.lax.stop_gradient(ch_h), axis=1)
        f = jax.nn.sigmoid((x @ W_fx + b_f)[:, None, :] + ch_h @ W_fh)
        fc_sum = jnp.sum(f * ch_c, axis=1)
        i = jax.nn.sigmoid(x @ W_ix + b_i + h_sum @ W_ih)
        o = jax.nn.sigmoid(x @ W_ox + b_o + h_sum @ W_oh)
        u = jnp.tanh(x @ W_ux + b_u + h_sum @ W_uh)
        c = i * u + fc_sum
        h = o * jnp.tanh(c)

    # Only the level-0 output is returned (dropout in eval mode = identity).
    out = h @ W_out + b_out
    return out

if __name__ == "__main__":
    import jax
    _d = setup_inputs()
    print(jax.jit(kernel)(*tuple(_d.values())))

</pallas_src>

<mosaic_0001>
module attributes {stable_mosaic.version = 14 : i64} {
  func.func @_tree_lstm_body(%arg0: memref<16368x128xf32, #tpu.memory_space<vmem>>, %arg1: memref<128x512xf32, #tpu.memory_space<vmem>>, %arg2: memref<1x512xf32, #tpu.memory_space<vmem>>, %arg3: memref<128x512xf32, #tpu.memory_space<vmem>>, %arg4: memref<128x5xf32, #tpu.memory_space<vmem>>, %arg5: memref<1x5xf32, #tpu.memory_space<vmem>>, %arg6: memref<16x5xf32, #tpu.memory_space<vmem>>) attributes {dimension_semantics = [], scalar_prefetch = 0 : i64, scratch_operands = 0 : i64, tpu.core_type = #tpu.core_type<tc>} {
    %get3A = arith.constant 0 : index
    %get3A_0 = arith.constant 0 : index
    %get3A_1 = vector.load %arg1[%get3A, %get3A_0] : memref<128x512xf32, #tpu.memory_space<vmem>>, vector<128x512xf32>
    %get3A_2 = arith.constant 0 : index
    %get3A_3 = arith.constant 0 : index
    %get3A_4 = vector.load %arg2[%get3A_2, %get3A_3] : memref<1x512xf32, #tpu.memory_space<vmem>>, vector<1x512xf32>
    %get3A_5 = arith.constant 0 : index
    %get3A_6 = arith.constant 0 : index
    %get3A_7 = vector.load %arg3[%get3A_5, %get3A_6] : memref<128x512xf32, #tpu.memory_space<vmem>>, vector<128x512xf32>
    %get3A_8 = arith.constant 8176 : index
    %get3A_9 = arith.constant 0 : index
    %get3A_10 = vector.load %arg0[%get3A_8, %get3A_9] : memref<16368x128xf32, #tpu.memory_space<vmem>>, vector<8192x128xf32>
    %slice3A = vector.extract_strided_slice %get3A_1 {offsets = [0, 128], sizes = [128, 384], strides = [1, 1]} : vector<128x512xf32> to vector<128x384xf32>
    %dot_general3A = arith.constant dense<0.000000e+00> : vector<8192x384xf32>
    %dot_general3A_11 = tpu.matmul %get3A_10, %slice3A, %dot_general3A {dimension_numbers = #tpu.dot_dimension_numbers<[1], [0], [0], [1], [0, 0, 1, 1], [], []>, transpose_lhs_hint = false} : vector<8192x128xf32>, vector<128x384xf32>, vector<8192x384xf32> -> vector<8192x384xf32>
    %slice3A_12 = vector.extract_strided_slice %get3A_4 {offsets = [0, 128], sizes = [1, 384], strides = [1, 1]} : vector<1x512xf32> to vector<1x384xf32>
    %add3A = vector.broadcast %slice3A_12 : vector<1x384xf32> to vector<8192x384xf32>
    %add3A_13 = arith.addf %dot_general3A_11, %add3A : vector<8192x384xf32>
    %slice3A_14 = vector.extract_strided_slice %add3A_13 {offsets = [0, 0], sizes = [8192, 128], strides = [1, 1]} : vector<8192x384xf32> to vector<8192x128xf32>
    %logistic3A = arith.negf %slice3A_14 : vector<8192x128xf32>
    %logistic3A_15 = math.exp %logistic3A : vector<8192x128xf32>
    %logistic3A_16 = arith.constant 1.000000e+00 : f32
    %logistic3A_17 = vector.broadcast %logistic3A_16 : f32 to vector<8192x128xf32>
    %logistic3A_18 = arith.addf %logistic3A_17, %logistic3A_15 : vector<8192x128xf32>
    %logistic3A_19 = arith.divf %logistic3A_17, %logistic3A_18 : vector<8192x128xf32>
    %slice3A_20 = vector.extract_strided_slice %add3A_13 {offsets = [0, 128], sizes = [8192, 128], strides = [1, 1]} : vector<8192x384xf32> to vector<8192x128xf32>
    %logistic3A_21 = arith.negf %slice3A_20 : vector<8192x128xf32>
    %logistic3A_22 = math.exp %logistic3A_21 : vector<8192x128xf32>
    %logistic3A_23 = arith.constant 1.000000e+00 : f32
    %logistic3A_24 = vector.broadcast %logistic3A_23 : f32 to vector<8192x128xf32>
    %logistic3A_25 = arith.addf %logistic3A_24, %logistic3A_22 : vector<8192x128xf32>
    %logistic3A_26 = arith.divf %logistic3A_24, %logistic3A_25 : vector<8192x128xf32>
    %slice3A_27 = vector.extract_strided_slice %add3A_13 {offsets = [0, 256], sizes = [8192, 128], strides = [1, 1]} : vector<8192x384xf32> to vector<8192x128xf32>
    %tanh3A = math.tanh %slice3A_27 : vector<8192x128xf32>
    %mul3A = arith.mulf %logistic3A_19, %tanh3A : vector<8192x128xf32>
    %tanh3A_28 = math.tanh %mul3A : vector<8192x128xf32>
    %mul3A_29 = arith.mulf %logistic3A_26, %tanh3A_28 : vector<8192x128xf32>
    %get3A_30 = arith.constant 4080 : index
    %get3A_31 = arith.constant 0 : index
    %get3A_32 = vector.load %arg0[%get3A_30, %get3A_31] : memref<16368x128xf32, #tpu.memory_space<vmem>>, vector<4096x128xf32>
    %dot_general3A_33 = arith.constant dense<0.000000e+00> : vector<4096x512xf32>
    %dot_general3A_34 = tpu.matmul %get3A_32, %get3A_1, %dot_general3A_33 {dimension_numbers = #tpu.dot_dimension_numbers<[1], [0], [0], [1], [0, 0, 1, 1], [], []>, transpose_lhs_hint = false} : vector<4096x128xf32>, vector<128x512xf32>, vector<4096x512xf32> -> vector<4096x512xf32>
    %add3A_35 = vector.broadcast %get3A_4 : vector<1x512xf32> to vector<4096x512xf32>
    %add3A_36 = arith.addf %dot_general3A_34, %add3A_35 : vector<4096x512xf32>
    %dot_general3A_37 = arith.constant dense<0.000000e+00> : vector<8192x512xf32>
    %dot_general3A_38 = tpu.matmul %mul3A_29, %get3A_7, %dot_general3A_37 {dimension_numbers = #tpu.dot_dimension_numbers<[1], [0], [0], [1], [0, 0, 1, 1], [], []>, transpose_lhs_hint = false} : vector<8192x128xf32>, vector<128x512xf32>, vector<8192x512xf32> -> vector<8192x512xf32>
    %slice3A_39 = vector.extract_strided_slice %add3A_36 {offsets = [0, 0], sizes = [4096, 128], strides = [1, 1]} : vector<4096x512xf32> to vector<4096x128xf32>
    %slice3A_40 = vector.extract_strided_slice %dot_general3A_38 {offsets = [0, 0], sizes = [4096, 128], strides = [1, 1]} : vector<8192x512xf32> to vector<4096x128xf32>
    %add3A_41 = arith.addf %slice3A_39, %slice3A_40 : vector<4096x128xf32>
    %logistic3A_42 = arith.negf %add3A_41 : vector<4096x128xf32>
    %logistic3A_43 = math.exp %logistic3A_42 : vector<4096x128xf32>
    %logistic3A_44 = arith.constant 1.000000e+00 : f32
    %logistic3A_45 = vector.broadcast %logistic3A_44 : f32 to vector<4096x128xf32>
    %logistic3A_46 = arith.addf %logistic3A_45, %logistic3A_43 : vector<4096x128xf32>
    %logistic3A_47 = arith.divf %logistic3A_45, %logistic3A_46 : vector<4096x128xf32>
    %slice3A_48 = vector.extract_strided_slice %add3A_36 {offsets = [0, 0], sizes = [4096, 128], strides = [1, 1]} : vector<4096x512xf32> to vector<4096x128xf32>
    %slice3A_49 = vector.extract_strided_slice %dot_general3A_38 {offsets = [4096, 0], sizes = [4096, 128], strides = [1, 1]} : vector<8192x512xf32> to vector<4096x128xf32>
    %add3A_50 = arith.addf %slice3A_48, %slice3A_49 : vector<4096x128xf32>
    %logistic3A_51 = arith.negf %add3A_50 : vector<4096x128xf32>
    %logistic3A_52 = math.exp %logistic3A_51 : vector<4096x128xf32>
    %logistic3A_53 = arith.constant 1.000000e+00 : f32
    %logistic3A_54 = vector.broadcast %logistic3A_53 : f32 to vector<4096x128xf32>
    %logistic3A_55 = arith.addf %logistic3A_54, %logistic3A_52 : vector<4096x128xf32>
    %logistic3A_56 = arith.divf %logistic3A_54, %logistic3A_55 : vector<4096x128xf32>
    %slice3A_57 = vector.extract_strided_slice %mul3A {offsets = [0, 0], sizes = [4096, 128], strides = [1, 1]} : vector<8192x128xf32> to vector<4096x128xf32>
    %mul3A_58 = arith.mulf %logistic3A_47, %slice3A_57 : vector<4096x128xf32>
    %slice3A_59 = vector.extract_strided_slice %mul3A {offsets = [4096, 0], sizes = [4096, 128], strides = [1, 1]} : vector<8192x128xf32> to vector<4096x128xf32>
    %mul3A_60 = arith.mulf %logistic3A_56, %slice3A_59 : vector<4096x128xf32>
    %add3A_61 = arith.addf %mul3A_58, %mul3A_60 : vector<4096x128xf32>
    %slice3A_62 = vector.extract_strided_slice %dot_general3A_38 {offsets = [0, 128], sizes = [4096, 384], strides = [1, 1]} : vector<8192x512xf32> to vector<4096x384xf32>
    %slice3A_63 = vector.extract_strided_slice %dot_general3A_38 {offsets = [4096, 128], sizes = [4096, 384], strides = [1, 1]} : vector<8192x512xf32> to vector<4096x384xf32>
    %add3A_64 = arith.addf %slice3A_62, %slice3A_63 : vector<4096x384xf32>
    %slice3A_65 = vector.extract_strided_slice %add3A_36 {offsets = [0, 128], sizes = [4096, 128], strides = [1, 1]} : vector<4096x512xf32> to vector<4096x128xf32>
    %slice3A_66 = vector.extract_strided_slice %add3A_64 {offsets = [0, 0], sizes = [4096, 128], strides = [1, 1]} : vector<4096x384xf32> to vector<4096x128xf32>
    %add3A_67 = arith.addf %slice3A_65, %slice3A_66 : vector<4096x128xf32>
    %logistic3A_68 = arith.negf %add3A_67 : vector<4096x128xf32>
    %logistic3A_69 = math.exp %logistic3A_68 : vector<4096x128xf32>
    %logistic3A_70 = arith.constant 1.000000e+00 : f32
    %logistic3A_71 = vector.broadcast %logistic3A_70 : f32 to vector<4096x128xf32>
    %logistic3A_72 = arith.addf %logistic3A_71, %logistic3A_69 : vector<4096x128xf32>
    %logistic3A_73 = arith.divf %logistic3A_71, %logistic3A_72 : vector<4096x128xf32>
    %slice3A_74 = vector.extract_strided_slice %add3A_36 {offsets = [0, 256], sizes = [4096, 128], strides = [1, 1]} : vector<4096x512xf32> to vector<4096x128xf32>
    %slice3A_75 = vector.extract_strided_slice %add3A_64 {offsets = [0, 128], sizes = [4096, 128], strides = [1, 1]} : vector<4096x384xf32> to vector<4096x128xf32>
    %add3A_76 = arith.addf %slice3A_74, %slice3A_75 : vector<4096x128xf32>
    %logistic3A_77 = arith.negf %add3A_76 : vector<4096x128xf32>
    %logistic3A_78 = math.exp %logistic3A_77 : vector<4096x128xf32>
    %logistic3A_79 = arith.constant 1.000000e+00 : f32
    %logistic3A_80 = vector.broadcast %logistic3A_79 : f32 to vector<4096x128xf32>
    %logistic3A_81 = arith.addf %logistic3A_80, %logistic3A_78 : vector<4096x128xf32>
    %logistic3A_82 = arith.divf %logistic3A_80, %logistic3A_81 : vector<4096x128xf32>
    %slice3A_83 = vector.extract_strided_slice %add3A_36 {offsets = [0, 384], sizes = [4096, 128], strides = [1, 1]} : vector<4096x512xf32> to vector<4096x128xf32>
    %slice3A_84 = vector.extract_strided_slice %add3A_64 {offsets = [0, 256], sizes = [4096, 128], strides = [1, 1]} : vector<4096x384xf32> to vector<4096x128xf32>
    %add3A_85 = arith.addf %slice3A_83, %slice3A_84 : vector<4096x128xf32>
    %tanh3A_86 = math.tanh %add3A_85 : vector<4096x128xf32>
    %mul3A_87 = arith.mulf %logistic3A_73, %tanh3A_86 : vector<4096x128xf32>
    %add3A_88 = arith.addf %mul3A_87, %add3A_61 : vector<4096x128xf32>
    %tanh3A_89 = math.tanh %add3A_88 : vector<4096x128xf32>
    %mul3A_90 = arith.mulf %logistic3A_82, %tanh3A_89 : vector<4096x128xf32>
    %get3A_91 = arith.constant 2032 : index
    %get3A_92 = arith.constant 0 : index
    %get3A_93 = vector.load %arg0[%get3A_91, %get3A_92] : memref<16368x128xf32, #tpu.memory_space<vmem>>, vector<2048x128xf32>
    %dot_general3A_94 = arith.constant dense<0.000000e+00> : vector<2048x512xf32>
    %dot_general3A_95 = tpu.matmul %get3A_93, %get3A_1, %dot_general3A_94 {dimension_numbers = #tpu.dot_dimension_numbers<[1], [0], [0], [1], [0, 0, 1, 1], [], []>, transpose_lhs_hint = false} : vector<2048x128xf32>, vector<128x512xf32>, vector<2048x512xf32> -> vector<2048x512xf32>
    %add3A_96 = vector.broadcast %get3A_4 : vector<1x512xf32> to vector<2048x512xf32>
    %add3A_97 = arith.addf %dot_general3A_95, %add3A_96 : vector<2048x512xf32>
    %dot_general3A_98 = arith.constant dense<0.000000e+00> : vector<4096x512xf32>
    %dot_general3A_99 = tpu.matmul %mul3A_90, %get3A_7, %dot_general3A_98 {dimension_numbers = #tpu.dot_dimension_numbers<[1], [0], [0], [1], [0, 0, 1, 1], [], []>, transpose_lhs_hint = false} : vector<4096x128xf32>, vector<128x512xf32>, vector<4096x512xf32> -> vector<4096x512xf32>
    %slice3A_100 = vector.extract_strided_slice %add3A_97 {offsets = [0, 0], sizes = [2048, 128], strides = [1, 1]} : vector<2048x512xf32> to vector<2048x128xf32>
    %slice3A_101 = vector.extract_strided_slice %dot_general3A_99 {offsets = [0, 0], sizes = [2048, 128], strides = [1, 1]} : vector<4096x512xf32> to vector<2048x128xf32>
    %add3A_102 = arith.addf %slice3A_100, %slice3A_101 : vector<2048x128xf32>
    %logistic3A_103 = arith.negf %add3A_102 : vector<2048x128xf32>
    %logistic3A_104 = math.exp %logistic3A_103 : vector<2048x128xf32>
    %logistic3A_105 = arith.constant 1.000000e+00 : f32
    %logistic3A_106 = vector.broadcast %logistic3A_105 : f32 to vector<2048x128xf32>
    %logistic3A_107 = arith.addf %logistic3A_106, %logistic3A_104 : vector<2048x128xf32>
    %logistic3A_108 = arith.divf %logistic3A_106, %logistic3A_107 : vector<2048x128xf32>
    %slice3A_109 = vector.extract_strided_slice %add3A_97 {offsets = [0, 0], sizes = [2048, 128], strides = [1, 1]} : vector<2048x512xf32> to vector<2048x128xf32>
    %slice3A_110 = vector.extract_strided_slice %dot_general3A_99 {offsets = [2048, 0], sizes = [2048, 128], strides = [1, 1]} : vector<4096x512xf32> to vector<2048x128xf32>
    %add3A_111 = arith.addf %slice3A_109, %slice3A_110 : vector<2048x128xf32>
    %logistic3A_112 = arith.negf %add3A_111 : vector<2048x128xf32>
    %logistic3A_113 = math.exp %logistic3A_112 : vector<2048x128xf32>
    %logistic3A_114 = arith.constant 1.000000e+00 : f32
    %logistic3A_115 = vector.broadcast %logistic3A_114 : f32 to vector<2048x128xf32>
    %logistic3A_116 = arith.addf %logistic3A_115, %logistic3A_113 : vector<2048x128xf32>
    %logistic3A_117 = arith.divf %logistic3A_115, %logistic3A_116 : vector<2048x128xf32>
    %slice3A_118 = vector.extract_strided_slice %add3A_88 {offsets = [0, 0], sizes = [2048, 128], strides = [1, 1]} : vector<4096x128xf32> to vector<2048x128xf32>
    %mul3A_119 = arith.mulf %logistic3A_108, %slice3A_118 : vector<2048x128xf32>
    %slice3A_120 = vector.extract_strided_slice %add3A_88 {offsets = [2048, 0], sizes = [2048, 128], strides = [1, 1]} : vector<4096x128xf32> to vector<2048x128xf32>
    %mul3A_121 = arith.mulf %logistic3A_117, %slice3A_120 : vector<2048x128xf32>
    %add3A_122 = arith.addf %mul3A_119, %mul3A_121 : vector<2048x128xf32>
    %slice3A_123 = vector.extract_strided_slice %dot_general3A_99 {offsets = [0, 128], sizes = [2048, 384], strides = [1, 1]} : vector<4096x512xf32> to vector<2048x384xf32>
    %slice3A_124 = vector.extract_strided_slice %dot_general3A_99 {offsets = [2048, 128], sizes = [2048, 384], strides = [1, 1]} : vector<4096x512xf32> to vector<2048x384xf32>
    %add3A_125 = arith.addf %slice3A_123, %slice3A_124 : vector<2048x384xf32>
    %slice3A_126 = vector.extract_strided_slice %add3A_97 {offsets = [0, 128], sizes = [2048, 128], strides = [1, 1]} : vector<2048x512xf32> to vector<2048x128xf32>
    %slice3A_127 = vector.extract_strided_slice %add3A_125 {offsets = [0, 0], sizes = [2048, 128], strides = [1, 1]} : vector<2048x384xf32> to vector<2048x128xf32>
    %add3A_128 = arith.addf %slice3A_126, %slice3A_127 : vector<2048x128xf32>
    %logistic3A_129 = arith.negf %add3A_128 : vector<2048x128xf32>
    %logistic3A_130 = math.exp %logistic3A_129 : vector<2048x128xf32>
    %logistic3A_131 = arith.constant 1.000000e+00 : f32
    %logistic3A_132 = vector.broadcast %logistic3A_131 : f32 to vector<2048x128xf32>
    %logistic3A_133 = arith.addf %logistic3A_132, %logistic3A_130 : vector<2048x128xf32>
    %logistic3A_134 = arith.divf %logistic3A_132, %logistic3A_133 : vector<2048x128xf32>
    %slice3A_135 = vector.extract_strided_slice %add3A_97 {offsets = [0, 256], sizes = [2048, 128], strides = [1, 1]} : vector<2048x512xf32> to vector<2048x128xf32>
    %slice3A_136 = vector.extract_strided_slice %add3A_125 {offsets = [0, 128], sizes = [2048, 128], strides = [1, 1]} : vector<2048x384xf32> to vector<2048x128xf32>
    %add3A_137 = arith.addf %slice3A_135, %slice3A_136 : vector<2048x128xf32>
    %logistic3A_138 = arith.negf %add3A_137 : vector<2048x128xf32>
    %logistic3A_139 = math.exp %logistic3A_138 : vector<2048x128xf32>
    %logistic3A_140 = arith.constant 1.000000e+00 : f32
    %logistic3A_141 = vector.broadcast %logistic3A_140 : f32 to vector<2048x128xf32>
    %logistic3A_142 = arith.addf %logistic3A_141, %logistic3A_139 : vector<2048x128xf32>
    %logistic3A_143 = arith.divf %logistic3A_141, %logistic3A_142 : vector<2048x128xf32>
    %slice3A_144 = vector.extract_strided_slice %add3A_97 {offsets = [0, 384], sizes = [2048, 128], strides = [1, 1]} : vector<2048x512xf32> to vector<2048x128xf32>
    %slice3A_145 = vector.extract_strided_slice %add3A_125 {offsets = [0, 256], sizes = [2048, 128], strides = [1, 1]} : vector<2048x384xf32> to vector<2048x128xf32>
    %add3A_146 = arith.addf %slice3A_144, %slice3A_145 : vector<2048x128xf32>
    %tanh3A_147 = math.tanh %add3A_146 : vector<2048x128xf32>
    %mul3A_148 = arith.mulf %logistic3A_134, %tanh3A_147 : vector<2048x128xf32>
    %add3A_149 = arith.addf %mul3A_148, %add3A_122 : vector<2048x128xf32>
    %tanh3A_150 = math.tanh %add3A_149 : vector<2048x128xf32>
    %mul3A_151 = arith.mulf %logistic3A_143, %tanh3A_150 : vector<2048x128xf32>
    %get3A_152 = arith.constant 1008 : index
    %get3A_153 = arith.constant 0 : index
    %get3A_154 = vector.load %arg0[%get3A_152, %get3A_153] : memref<16368x128xf32, #tpu.memory_space<vmem>>, vector<1024x128xf32>
    %dot_general3A_155 = arith.constant dense<0.000000e+00> : vector<1024x512xf32>
    %dot_general3A_156 = tpu.matmul %get3A_154, %get3A_1, %dot_general3A_155 {dimension_numbers = #tpu.dot_dimension_numbers<[1], [0], [0], [1], [0, 0, 1, 1], [], []>, transpose_lhs_hint = false} : vector<1024x128xf32>, vector<128x512xf32>, vector<1024x512xf32> -> vector<1024x512xf32>
    %add3A_157 = vector.broadcast %get3A_4 : vector<1x512xf32> to vector<1024x512xf32>
    %add3A_158 = arith.addf %dot_general3A_156, %add3A_157 : vector<1024x512xf32>
    %dot_general3A_159 = arith.constant dense<0.000000e+00> : vector<2048x512xf32>
    %dot_general3A_160 = tpu.matmul %mul3A_151, %get3A_7, %dot_general3A_159 {dimension_numbers = #tpu.dot_dimension_numbers<[1], [0], [0], [1], [0, 0, 1, 1], [], []>, transpose_lhs_hint = false} : vector<2048x128xf32>, vector<128x512xf32>, vector<2048x512xf32> -> vector<2048x512xf32>
    %slice3A_161 = vector.extract_strided_slice %add3A_158 {offsets = [0, 0], sizes = [1024, 128], strides = [1, 1]} : vector<1024x512xf32> to vector<1024x128xf32>
    %slice3A_162 = vector.extract_strided_slice %dot_general3A_160 {offsets = [0, 0], sizes = [1024, 128], strides = [1, 1]} : vector<2048x512xf32> to vector<1024x128xf32>
    %add3A_163 = arith.addf %slice3A_161, %slice3A_162 : vector<1024x128xf32>
    %logistic3A_164 = arith.negf %add3A_163 : vector<1024x128xf32>
    %logistic3A_165 = math.exp %logistic3A_164 : vector<1024x128xf32>
    %logistic3A_166 = arith.constant 1.000000e+00 : f32
    %logistic3A_167 = vector.broadcast %logistic3A_166 : f32 to vector<1024x128xf32>
    %logistic3A_168 = arith.addf %logistic3A_167, %logistic3A_165 : vector<1024x128xf32>
    %logistic3A_169 = arith.divf %logistic3A_167, %logistic3A_168 : vector<1024x128xf32>
    %slice3A_170 = vector.extract_strided_slice %add3A_158 {offsets = [0, 0], sizes = [1024, 128], strides = [1, 1]} : vector<1024x512xf32> to vector<1024x128xf32>
    %slice3A_171 = vector.extract_strided_slice %dot_general3A_160 {offsets = [1024, 0], sizes = [1024, 128], strides = [1, 1]} : vector<2048x512xf32> to vector<1024x128xf32>
    %add3A_172 = arith.addf %slice3A_170, %slice3A_171 : vector<1024x128xf32>
    %logistic3A_173 = arith.negf %add3A_172 : vector<1024x128xf32>
    %logistic3A_174 = math.exp %logistic3A_173 : vector<1024x128xf32>
    %logistic3A_175 = arith.constant 1.000000e+00 : f32
    %logistic3A_176 = vector.broadcast %logistic3A_175 : f32 to vector<1024x128xf32>
    %logistic3A_177 = arith.addf %logistic3A_176, %logistic3A_174 : vector<1024x128xf32>
    %logistic3A_178 = arith.divf %logistic3A_176, %logistic3A_177 : vector<1024x128xf32>
    %slice3A_179 = vector.extract_strided_slice %add3A_149 {offsets = [0, 0], sizes = [1024, 128], strides = [1, 1]} : vector<2048x128xf32> to vector<1024x128xf32>
    %mul3A_180 = arith.mulf %logistic3A_169, %slice3A_179 : vector<1024x128xf32>
    %slice3A_181 = vector.extract_strided_slice %add3A_149 {offsets = [1024, 0], sizes = [1024, 128], strides = [1, 1]} : vector<2048x128xf32> to vector<1024x128xf32>
    %mul3A_182 = arith.mulf %logistic3A_178, %slice3A_181 : vector<1024x128xf32>
    %add3A_183 = arith.addf %mul3A_180, %mul3A_182 : vector<1024x128xf32>
    %slice3A_184 = vector.extract_strided_slice %dot_general3A_160 {offsets = [0, 128], sizes = [1024, 384], strides = [1, 1]} : vector<2048x512xf32> to vector<1024x384xf32>
    %slice3A_185 = vector.extract_strided_slice %dot_general3A_160 {offsets = [1024, 128], sizes = [1024, 384], strides = [1, 1]} : vector<2048x512xf32> to vector<1024x384xf32>
    %add3A_186 = arith.addf %slice3A_184, %slice3A_185 : vector<1024x384xf32>
    %slice3A_187 = vector.extract_strided_slice %add3A_158 {offsets = [0, 128], sizes = [1024, 128], strides = [1, 1]} : vector<1024x512xf32> to vector<1024x128xf32>
    %slice3A_188 = vector.extract_strided_slice %add3A_186 {offsets = [0, 0], sizes = [1024, 128], strides = [1, 1]} : vector<1024x384xf32> to vector<1024x128xf32>
    %add3A_189 = arith.addf %slice3A_187, %slice3A_188 : vector<1024x128xf32>
    %logistic3A_190 = arith.negf %add3A_189 : vector<1024x128xf32>
    %logistic3A_191 = math.exp %logistic3A_190 : vector<1024x128xf32>
    %logistic3A_192 = arith.constant 1.000000e+00 : f32
    %logistic3A_193 = vector.broadcast %logistic3A_192 : f32 to vector<1024x128xf32>
    %logistic3A_194 = arith.addf %logistic3A_193, %logistic3A_191 : vector<1024x128xf32>
    %logistic3A_195 = arith.divf %logistic3A_193, %logistic3A_194 : vector<1024x128xf32>
    %slice3A_196 = vector.extract_strided_slice %add3A_158 {offsets = [0, 256], sizes = [1024, 128], strides = [1, 1]} : vector<1024x512xf32> to vector<1024x128xf32>
    %slice3A_197 = vector.extract_strided_slice %add3A_186 {offsets = [0, 128], sizes = [1024, 128], strides = [1, 1]} : vector<1024x384xf32> to vector<1024x128xf32>
    %add3A_198 = arith.addf %slice3A_196, %slice3A_197 : vector<1024x128xf32>
    %logistic3A_199 = arith.negf %add3A_198 : vector<1024x128xf32>
    %logistic3A_200 = math.exp %logistic3A_199 : vector<1024x128xf32>
    %logistic3A_201 = arith.constant 1.000000e+00 : f32
    %logistic3A_202 = vector.broadcast %logistic3A_201 : f32 to vector<1024x128xf32>
    %logistic3A_203 = arith.addf %logistic3A_202, %logistic3A_200 : vector<1024x128xf32>
    %logistic3A_204 = arith.divf %logistic3A_202, %logistic3A_203 : vector<1024x128xf32>
    %slice3A_205 = vector.extract_strided_slice %add3A_158 {offsets = [0, 384], sizes = [1024, 128], strides = [1, 1]} : vector<1024x512xf32> to vector<1024x128xf32>
    %slice3A_206 = vector.extract_strided_slice %add3A_186 {offsets = [0, 256], sizes = [1024, 128], strides = [1, 1]} : vector<1024x384xf32> to vector<1024x128xf32>
    %add3A_207 = arith.addf %slice3A_205, %slice3A_206 : vector<1024x128xf32>
    %tanh3A_208 = math.tanh %add3A_207 : vector<1024x128xf32>
    %mul3A_209 = arith.mulf %logistic3A_195, %tanh3A_208 : vector<1024x128xf32>
    %add3A_210 = arith.addf %mul3A_209, %add3A_183 : vector<1024x128xf32>
    %tanh3A_211 = math.tanh %add3A_210 : vector<1024x128xf32>
    %mul3A_212 = arith.mulf %logistic3A_204, %tanh3A_211 : vector<1024x128xf32>
    %get3A_213 = arith.constant 496 : index
    %get3A_214 = arith.constant 0 : index
    %get3A_215 = vector.load %arg0[%get3A_213, %get3A_214] : memref<16368x128xf32, #tpu.memory_space<vmem>>, vector<512x128xf32>
    %dot_general3A_216 = arith.constant dense<0.000000e+00> : vector<512x512xf32>
    %dot_general3A_217 = tpu.matmul %get3A_215, %get3A_1, %dot_general3A_216 {dimension_numbers = #tpu.dot_dimension_numbers<[1], [0], [0], [1], [0, 0, 1, 1], [], []>, transpose_lhs_hint = false} : vector<512x128xf32>, vector<128x512xf32>, vector<512x512xf32> -> vector<512x512xf32>
    %add3A_218 = vector.broadcast %get3A_4 : vector<1x512xf32> to vector<512x512xf32>
    %add3A_219 = arith.addf %dot_general3A_217, %add3A_218 : vector<512x512xf32>
    %dot_general3A_220 = arith.constant dense<0.000000e+00> : vector<1024x512xf32>
    %dot_general3A_221 = tpu.matmul %mul3A_212, %get3A_7, %dot_general3A_220 {dimension_numbers = #tpu.dot_dimension_numbers<[1], [0], [0], [1], [0, 0, 1, 1], [], []>, transpose_lhs_hint = false} : vector<1024x128xf32>, vector<128x512xf32>, vector<1024x512xf32> -> vector<1024x512xf32>
    %slice3A_222 = vector.extract_strided_slice %add3A_219 {offsets = [0, 0], sizes = [512, 128], strides = [1, 1]} : vector<512x512xf32> to vector<512x128xf32>
    %slice3A_223 = vector.extract_strided_slice %dot_general3A_221 {offsets = [0, 0], sizes = [512, 128], strides = [1, 1]} : vector<1024x512xf32> to vector<512x128xf32>
    %add3A_224 = arith.addf %slice3A_222, %slice3A_223 : vector<512x128xf32>
    %logistic3A_225 = arith.negf %add3A_224 : vector<512x128xf32>
    %logistic3A_226 = math.exp %logistic3A_225 : vector<512x128xf32>
    %logistic3A_227 = arith.constant 1.000000e+00 : f32
    %logistic3A_228 = vector.broadcast %logistic3A_227 : f32 to vector<512x128xf32>
    %logistic3A_229 = arith.addf %logistic3A_228, %logistic3A_226 : vector<512x128xf32>
    %logistic3A_230 = arith.divf %logistic3A_228, %logistic3A_229 : vector<512x128xf32>
    %slice3A_231 = vector.extract_strided_slice %add3A_219 {offsets = [0, 0], sizes = [512, 128], strides = [1, 1]} : vector<512x512xf32> to vector<512x128xf32>
    %slice3A_232 = vector.extract_strided_slice %dot_general3A_221 {offsets = [512, 0], sizes = [512, 128], strides = [1, 1]} : vector<1024x512xf32> to vector<512x128xf32>
    %add3A_233 = arith.addf %slice3A_231, %slice3A_232 : vector<512x128xf32>
    %logistic3A_234 = arith.negf %add3A_233 : vector<512x128xf32>
    %logistic3A_235 = math.exp %logistic3A_234 : vector<512x128xf32>
    %logistic3A_236 = arith.constant 1.000000e+00 : f32
    %logistic3A_237 = vector.broadcast %logistic3A_236 : f32 to vector<512x128xf32>
    %logistic3A_238 = arith.addf %logistic3A_237, %logistic3A_235 : vector<512x128xf32>
    %logistic3A_239 = arith.divf %logistic3A_237, %logistic3A_238 : vector<512x128xf32>
    %slice3A_240 = vector.extract_strided_slice %add3A_210 {offsets = [0, 0], sizes = [512, 128], strides = [1, 1]} : vector<1024x128xf32> to vector<512x128xf32>
    %mul3A_241 = arith.mulf %logistic3A_230, %slice3A_240 : vector<512x128xf32>
    %slice3A_242 = vector.extract_strided_slice %add3A_210 {offsets = [512, 0], sizes = [512, 128], strides = [1, 1]} : vector<1024x128xf32> to vector<512x128xf32>
    %mul3A_243 = arith.mulf %logistic3A_239, %slice3A_242 : vector<512x128xf32>
    %add3A_244 = arith.addf %mul3A_241, %mul3A_243 : vector<512x128xf32>
    %slice3A_245 = vector.extract_strided_slice %dot_general3A_221 {offsets = [0, 128], sizes = [512, 384], strides = [1, 1]} : vector<1024x512xf32> to vector<512x384xf32>
    %slice3A_246 = vector.extract_strided_slice %dot_general3A_221 {offsets = [512, 128], sizes = [512, 384], strides = [1, 1]} : vector<1024x512xf32> to vector<512x384xf32>
    %add3A_247 = arith.addf %slice3A_245, %slice3A_246 : vector<512x384xf32>
    %slice3A_248 = vector.extract_strided_slice %add3A_219 {offsets = [0, 128], sizes = [512, 128], strides = [1, 1]} : vector<512x512xf32> to vector<512x128xf32>
    %slice3A_249 = vector.extract_strided_slice %add3A_247 {offsets = [0, 0], sizes = [512, 128], strides = [1, 1]} : vector<512x384xf32> to vector<512x128xf32>
    %add3A_250 = arith.addf %slice3A_248, %slice3A_249 : vector<512x128xf32>
    %logistic3A_251 = arith.negf %add3A_250 : vector<512x128xf32>
    %logistic3A_252 = math.exp %logistic3A_251 : vector<512x128xf32>
    %logistic3A_253 = arith.constant 1.000000e+00 : f32
    %logistic3A_254 = vector.broadcast %logistic3A_253 : f32 to vector<512x128xf32>
    %logistic3A_255 = arith.addf %logistic3A_254, %logistic3A_252 : vector<512x128xf32>
    %logistic3A_256 = arith.divf %logistic3A_254, %logistic3A_255 : vector<512x128xf32>
    %slice3A_257 = vector.extract_strided_slice %add3A_219 {offsets = [0, 256], sizes = [512, 128], strides = [1, 1]} : vector<512x512xf32> to vector<512x128xf32>
    %slice3A_258 = vector.extract_strided_slice %add3A_247 {offsets = [0, 128], sizes = [512, 128], strides = [1, 1]} : vector<512x384xf32> to vector<512x128xf32>
    %add3A_259 = arith.addf %slice3A_257, %slice3A_258 : vector<512x128xf32>
    %logistic3A_260 = arith.negf %add3A_259 : vector<512x128xf32>
    %logistic3A_261 = math.exp %logistic3A_260 : vector<512x128xf32>
    %logistic3A_262 = arith.constant 1.000000e+00 : f32
    %logistic3A_263 = vector.broadcast %logistic3A_262 : f32 to vector<512x128xf32>
    %logistic3A_264 = arith.addf %logistic3A_263, %logistic3A_261 : vector<512x128xf32>
    %logistic3A_265 = arith.divf %logistic3A_263, %logistic3A_264 : vector<512x128xf32>
    %slice3A_266 = vector.extract_strided_slice %add3A_219 {offsets = [0, 384], sizes = [512, 128], strides = [1, 1]} : vector<512x512xf32> to vector<512x128xf32>
    %slice3A_267 = vector.extract_strided_slice %add3A_247 {offsets = [0, 256], sizes = [512, 128], strides = [1, 1]} : vector<512x384xf32> to vector<512x128xf32>
    %add3A_268 = arith.addf %slice3A_266, %slice3A_267 : vector<512x128xf32>
    %tanh3A_269 = math.tanh %add3A_268 : vector<512x128xf32>
    %mul3A_270 = arith.mulf %logistic3A_256, %tanh3A_269 : vector<512x128xf32>
    %add3A_271 = arith.addf %mul3A_270, %add3A_244 : vector<512x128xf32>
    %tanh3A_272 = math.tanh %add3A_271 : vector<512x128xf32>
    %mul3A_273 = arith.mulf %logistic3A_265, %tanh3A_272 : vector<512x128xf32>
    %get3A_274 = arith.constant 240 : index
    %get3A_275 = arith.constant 0 : index
    %get3A_276 = vector.load %arg0[%get3A_274, %get3A_275] : memref<16368x128xf32, #tpu.memory_space<vmem>>, vector<256x128xf32>
    %dot_general3A_277 = arith.constant dense<0.000000e+00> : vector<256x512xf32>
    %dot_general3A_278 = tpu.matmul %get3A_276, %get3A_1, %dot_general3A_277 {dimension_numbers = #tpu.dot_dimension_numbers<[1], [0], [0], [1], [0, 0, 1, 1], [], []>, transpose_lhs_hint = false} : vector<256x128xf32>, vector<128x512xf32>, vector<256x512xf32> -> vector<256x512xf32>
    %add3A_279 = vector.broadcast %get3A_4 : vector<1x512xf32> to vector<256x512xf32>
    %add3A_280 = arith.addf %dot_general3A_278, %add3A_279 : vector<256x512xf32>
    %dot_general3A_281 = arith.constant dense<0.000000e+00> : vector<512x512xf32>
    %dot_general3A_282 = tpu.matmul %mul3A_273, %get3A_7, %dot_general3A_281 {dimension_numbers = #tpu.dot_dimension_numbers<[1], [0], [0], [1], [0, 0, 1, 1], [], []>, transpose_lhs_hint = false} : vector<512x128xf32>, vector<128x512xf32>, vector<512x512xf32> -> vector<512x512xf32>
    %slice3A_283 = vector.extract_strided_slice %add3A_280 {offsets = [0, 0], sizes = [256, 128], strides = [1, 1]} : vector<256x512xf32> to vector<256x128xf32>
    %slice3A_284 = vector.extract_strided_slice %dot_general3A_282 {offsets = [0, 0], sizes = [256, 128], strides = [1, 1]} : vector<512x512xf32> to vector<256x128xf32>
    %add3A_285 = arith.addf %slice3A_283, %slice3A_284 : vector<256x128xf32>
    %logistic3A_286 = arith.negf %add3A_285 : vector<256x128xf32>
    %logistic3A_287 = math.exp %logistic3A_286 : vector<256x128xf32>
    %logistic3A_288 = arith.constant 1.000000e+00 : f32
    %logistic3A_289 = vector.broadcast %logistic3A_288 : f32 to vector<256x128xf32>
    %logistic3A_290 = arith.addf %logistic3A_289, %logistic3A_287 : vector<256x128xf32>
    %logistic3A_291 = arith.divf %logistic3A_289, %logistic3A_290 : vector<256x128xf32>
    %slice3A_292 = vector.extract_strided_slice %add3A_280 {offsets = [0, 0], sizes = [256, 128], strides = [1, 1]} : vector<256x512xf32> to vector<256x128xf32>
    %slice3A_293 = vector.extract_strided_slice %dot_general3A_282 {offsets = [256, 0], sizes = [256, 128], strides = [1, 1]} : vector<512x512xf32> to vector<256x128xf32>
    %add3A_294 = arith.addf %slice3A_292, %slice3A_293 : vector<256x128xf32>
    %logistic3A_295 = arith.negf %add3A_294 : vector<256x128xf32>
    %logistic3A_296 = math.exp %logistic3A_295 : vector<256x128xf32>
    %logistic3A_297 = arith.constant 1.000000e+00 : f32
    %logistic3A_298 = vector.broadcast %logistic3A_297 : f32 to vector<256x128xf32>
    %logistic3A_299 = arith.addf %logistic3A_298, %logistic3A_296 : vector<256x128xf32>
    %logistic3A_300 = arith.divf %logistic3A_298, %logistic3A_299 : vector<256x128xf32>
    %slice3A_301 = vector.extract_strided_slice %add3A_271 {offsets = [0, 0], sizes = [256, 128], strides = [1, 1]} : vector<512x128xf32> to vector<256x128xf32>
    %mul3A_302 = arith.mulf %logistic3A_291, %slice3A_301 : vector<256x128xf32>
    %slice3A_303 = vector.extract_strided_slice %add3A_271 {offsets = [256, 0], sizes = [256, 128], strides = [1, 1]} : vector<512x128xf32> to vector<256x128xf32>
    %mul3A_304 = arith.mulf %logistic3A_300, %slice3A_303 : vector<256x128xf32>
    %add3A_305 = arith.addf %mul3A_302, %mul3A_304 : vector<256x128xf32>
    %slice3A_306 = vector.extract_strided_slice %dot_general3A_282 {offsets = [0, 128], sizes = [256, 384], strides = [1, 1]} : vector<512x512xf32> to vector<256x384xf32>
    %slice3A_307 = vector.extract_strided_slice %dot_general3A_282 {offsets = [256, 128], sizes = [256, 384], strides = [1, 1]} : vector<512x512xf32> to vector<256x384xf32>
    %add3A_308 = arith.addf %slice3A_306, %slice3A_307 : vector<256x384xf32>
    %slice3A_309 = vector.extract_strided_slice %add3A_280 {offsets = [0, 128], sizes = [256, 128], strides = [1, 1]} : vector<256x512xf32> to vector<256x128xf32>
    %slice3A_310 = vector.extract_strided_slice %add3A_308 {offsets = [0, 0], sizes = [256, 128], strides = [1, 1]} : vector<256x384xf32> to vector<256x128xf32>
    %add3A_311 = arith.addf %slice3A_309, %slice3A_310 : vector<256x128xf32>
    %logistic3A_312 = arith.negf %add3A_311 : vector<256x128xf32>
    %logistic3A_313 = math.exp %logistic3A_312 : vector<256x128xf32>
    %logistic3A_314 = arith.constant 1.000000e+00 : f32
    %logistic3A_315 = vector.broadcast %logistic3A_314 : f32 to vector<256x128xf32>
    %logistic3A_316 = arith.addf %logistic3A_315, %logistic3A_313 : vector<256x128xf32>
    %logistic3A_317 = arith.divf %logistic3A_315, %logistic3A_316 : vector<256x128xf32>
    %slice3A_318 = vector.extract_strided_slice %add3A_280 {offsets = [0, 256], sizes = [256, 128], strides = [1, 1]} : vector<256x512xf32> to vector<256x128xf32>
    %slice3A_319 = vector.extract_strided_slice %add3A_308 {offsets = [0, 128], sizes = [256, 128], strides = [1, 1]} : vector<256x384xf32> to vector<256x128xf32>
    %add3A_320 = arith.addf %slice3A_318, %slice3A_319 : vector<256x128xf32>
    %logistic3A_321 = arith.negf %add3A_320 : vector<256x128xf32>
    %logistic3A_322 = math.exp %logistic3A_321 : vector<256x128xf32>
    %logistic3A_323 = arith.constant 1.000000e+00 : f32
    %logistic3A_324 = vector.broadcast %logistic3A_323 : f32 to vector<256x128xf32>
    %logistic3A_325 = arith.addf %logistic3A_324, %logistic3A_322 : vector<256x128xf32>
    %logistic3A_326 = arith.divf %logistic3A_324, %logistic3A_325 : vector<256x128xf32>
    %slice3A_327 = vector.extract_strided_slice %add3A_280 {offsets = [0, 384], sizes = [256, 128], strides = [1, 1]} : vector<256x512xf32> to vector<256x128xf32>
    %slice3A_328 = vector.extract_strided_slice %add3A_308 {offsets = [0, 256], sizes = [256, 128], strides = [1, 1]} : vector<256x384xf32> to vector<256x128xf32>
    %add3A_329 = arith.addf %slice3A_327, %slice3A_328 : vector<256x128xf32>
    %tanh3A_330 = math.tanh %add3A_329 : vector<256x128xf32>
    %mul3A_331 = arith.mulf %logistic3A_317, %tanh3A_330 : vector<256x128xf32>
    %add3A_332 = arith.addf %mul3A_331, %add3A_305 : vector<256x128xf32>
    %tanh3A_333 = math.tanh %add3A_332 : vector<256x128xf32>
    %mul3A_334 = arith.mulf %logistic3A_326, %tanh3A_333 : vector<256x128xf32>
    %get3A_335 = arith.constant 112 : index
    %get3A_336 = arith.constant 0 : index
    %get3A_337 = vector.load %arg0[%get3A_335, %get3A_336] : memref<16368x128xf32, #tpu.memory_space<vmem>>, vector<128x128xf32>
    %dot_general3A_338 = arith.constant dense<0.000000e+00> : vector<128x512xf32>
    %dot_general3A_339 = tpu.matmul %get3A_337, %get3A_1, %dot_general3A_338 {dimension_numbers = #tpu.dot_dimension_numbers<[1], [0], [0], [1], [0, 0, 1, 1], [], []>, transpose_lhs_hint = false} : vector<128x128xf32>, vector<128x512xf32>, vector<128x512xf32> -> vector<128x512xf32>
    %add3A_340 = vector.broadcast %get3A_4 : vector<1x512xf32> to vector<128x512xf32>
    %add3A_341 = arith.addf %dot_general3A_339, %add3A_340 : vector<128x512xf32>
    %dot_general3A_342 = arith.constant dense<0.000000e+00> : vector<256x512xf32>
    %dot_general3A_343 = tpu.matmul %mul3A_334, %get3A_7, %dot_general3A_342 {dimension_numbers = #tpu.dot_dimension_numbers<[1], [0], [0], [1], [0, 0, 1, 1], [], []>, transpose_lhs_hint = false} : vector<256x128xf32>, vector<128x512xf32>, vector<256x512xf32> -> vector<256x512xf32>
    %slice3A_344 = vector.extract_strided_slice %add3A_341 {offsets = [0, 0], sizes = [128, 128], strides = [1, 1]} : vector<128x512xf32> to vector<128x128xf32>
    %slice3A_345 = vector.extract_strided_slice %dot_general3A_343 {offsets = [0, 0], sizes = [128, 128], strides = [1, 1]} : vector<256x512xf32> to vector<128x128xf32>
    %add3A_346 = arith.addf %slice3A_344, %slice3A_345 : vector<128x128xf32>
    %logistic3A_347 = arith.negf %add3A_346 : vector<128x128xf32>
    %logistic3A_348 = math.exp %logistic3A_347 : vector<128x128xf32>
    %logistic3A_349 = arith.constant 1.000000e+00 : f32
    %logistic3A_350 = vector.broadcast %logistic3A_349 : f32 to vector<128x128xf32>
    %logistic3A_351 = arith.addf %logistic3A_350, %logistic3A_348 : vector<128x128xf32>
    %logistic3A_352 = arith.divf %logistic3A_350, %logistic3A_351 : vector<128x128xf32>
    %slice3A_353 = vector.extract_strided_slice %add3A_341 {offsets = [0, 0], sizes = [128, 128], strides = [1, 1]} : vector<128x512xf32> to vector<128x128xf32>
    %slice3A_354 = vector.extract_strided_slice %dot_general3A_343 {offsets = [128, 0], sizes = [128, 128], strides = [1, 1]} : vector<256x512xf32> to vector<128x128xf32>
    %add3A_355 = arith.addf %slice3A_353, %slice3A_354 : vector<128x128xf32>
    %logistic3A_356 = arith.negf %add3A_355 : vector<128x128xf32>
    %logistic3A_357 = math.exp %logistic3A_356 : vector<128x128xf32>
    %logistic3A_358 = arith.constant 1.000000e+00 : f32
    %logistic3A_359 = vector.broadcast %logistic3A_358 : f32 to vector<128x128xf32>
    %logistic3A_360 = arith.addf %logistic3A_359, %logistic3A_357 : vector<128x128xf32>
    %logistic3A_361 = arith.divf %logistic3A_359, %logistic3A_360 : vector<128x128xf32>
    %slice3A_362 = vector.extract_strided_slice %add3A_332 {offsets = [0, 0], sizes = [128, 128], strides = [1, 1]} : vector<256x128xf32> to vector<128x128xf32>
    %mul3A_363 = arith.mulf %logistic3A_352, %slice3A_362 : vector<128x128xf32>
    %slice3A_364 = vector.extract_strided_slice %add3A_332 {offsets = [128, 0], sizes = [128, 128], strides = [1, 1]} : vector<256x128xf32> to vector<128x128xf32>
    %mul3A_365 = arith.mulf %logistic3A_361, %slice3A_364 : vector<128x128xf32>
    %add3A_366 = arith.addf %mul3A_363, %mul3A_365 : vector<128x128xf32>
    %slice3A_367 = vector.extract_strided_slice %dot_general3A_343 {offsets = [0, 128], sizes = [128, 384], strides = [1, 1]} : vector<256x512xf32> to vector<128x384xf32>
    %slice3A_368 = vector.extract_strided_slice %dot_general3A_343 {offsets = [128, 128], sizes = [128, 384], strides = [1, 1]} : vector<256x512xf32> to vector<128x384xf32>
    %add3A_369 = arith.addf %slice3A_367, %slice3A_368 : vector<128x384xf32>
    %slice3A_370 = vector.extract_strided_slice %add3A_341 {offsets = [0, 128], sizes = [128, 128], strides = [1, 1]} : vector<128x512xf32> to vector<128x128xf32>
    %slice3A_371 = vector.extract_strided_slice %add3A_369 {offsets = [0, 0], sizes = [128, 128], strides = [1, 1]} : vector<128x384xf32> to vector<128x128xf32>
    %add3A_372 = arith.addf %slice3A_370, %slice3A_371 : vector<128x128xf32>
    %logistic3A_373 = arith.negf %add3A_372 : vector<128x128xf32>
    %logistic3A_374 = math.exp %logistic3A_373 : vector<128x128xf32>
    %logistic3A_375 = arith.constant 1.000000e+00 : f32
    %logistic3A_376 = vector.broadcast %logistic3A_375 : f32 to vector<128x128xf32>
    %logistic3A_377 = arith.addf %logistic3A_376, %logistic3A_374 : vector<128x128xf32>
    %logistic3A_378 = arith.divf %logistic3A_376, %logistic3A_377 : vector<128x128xf32>
    %slice3A_379 = vector.extract_strided_slice %add3A_341 {offsets = [0, 256], sizes = [128, 128], strides = [1, 1]} : vector<128x512xf32> to vector<128x128xf32>
    %slice3A_380 = vector.extract_strided_slice %add3A_369 {offsets = [0, 128], sizes = [128, 128], strides = [1, 1]} : vector<128x384xf32> to vector<128x128xf32>
    %add3A_381 = arith.addf %slice3A_379, %slice3A_380 : vector<128x128xf32>
    %logistic3A_382 = arith.negf %add3A_381 : vector<128x128xf32>
    %logistic3A_383 = math.exp %logistic3A_382 : vector<128x128xf32>
    %logistic3A_384 = arith.constant 1.000000e+00 : f32
    %logistic3A_385 = vector.broadcast %logistic3A_384 : f32 to vector<128x128xf32>
    %logistic3A_386 = arith.addf %logistic3A_385, %logistic3A_383 : vector<128x128xf32>
    %logistic3A_387 = arith.divf %logistic3A_385, %logistic3A_386 : vector<128x128xf32>
    %slice3A_388 = vector.extract_strided_slice %add3A_341 {offsets = [0, 384], sizes = [128, 128], strides = [1, 1]} : vector<128x512xf32> to vector<128x128xf32>
    %slice3A_389 = vector.extract_strided_slice %add3A_369 {offsets = [0, 256], sizes = [128, 128], strides = [1, 1]} : vector<128x384xf32> to vector<128x128xf32>
    %add3A_390 = arith.addf %slice3A_388, %slice3A_389 : vector<128x128xf32>
    %tanh3A_391 = math.tanh %add3A_390 : vector<128x128xf32>
    %mul3A_392 = arith.mulf %logistic3A_378, %tanh3A_391 : vector<128x128xf32>
    %add3A_393 = arith.addf %mul3A_392, %add3A_366 : vector<128x128xf32>
    %tanh3A_394 = math.tanh %add3A_393 : vector<128x128xf32>
    %mul3A_395 = arith.mulf %logistic3A_387, %tanh3A_394 : vector<128x128xf32>
    %get3A_396 = arith.constant 48 : index
    %get3A_397 = arith.constant 0 : index
    %get3A_398 = vector.load %arg0[%get3A_396, %get3A_397] : memref<16368x128xf32, #tpu.memory_space<vmem>>, vector<64x128xf32>
    %dot_general3A_399 = arith.constant dense<0.000000e+00> : vector<64x512xf32>
    %dot_general3A_400 = tpu.matmul %get3A_398, %get3A_1, %dot_general3A_399 {dimension_numbers = #tpu.dot_dimension_numbers<[1], [0], [0], [1], [0, 0, 1, 1], [], []>, transpose_lhs_hint = false} : vector<64x128xf32>, vector<128x512xf32>, vector<64x512xf32> -> vector<64x512xf32>
    %add3A_401 = vector.broadcast %get3A_4 : vector<1x512xf32> to vector<64x512xf32>
    %add3A_402 = arith.addf %dot_general3A_400, %add3A_401 : vector<64x512xf32>
    %dot_general3A_403 = arith.constant dense<0.000000e+00> : vector<128x512xf32>
    %dot_general3A_404 = tpu.matmul %mul3A_395, %get3A_7, %dot_general3A_403 {dimension_numbers = #tpu.dot_dimension_numbers<[1], [0], [0], [1], [0, 0, 1, 1], [], []>, transpose_lhs_hint = false} : vector<128x128xf32>, vector<128x512xf32>, vector<128x512xf32> -> vector<128x512xf32>
    %slice3A_405 = vector.extract_strided_slice %add3A_402 {offsets = [0, 0], sizes = [64, 128], strides = [1, 1]} : vector<64x512xf32> to vector<64x128xf32>
    %slice3A_406 = vector.extract_strided_slice %dot_general3A_404 {offsets = [0, 0], sizes = [64, 128], strides = [1, 1]} : vector<128x512xf32> to vector<64x128xf32>
    %add3A_407 = arith.addf %slice3A_405, %slice3A_406 : vector<64x128xf32>
    %logistic3A_408 = arith.negf %add3A_407 : vector<64x128xf32>
    %logistic3A_409 = math.exp %logistic3A_408 : vector<64x128xf32>
    %logistic3A_410 = arith.constant 1.000000e+00 : f32
    %logistic3A_411 = vector.broadcast %logistic3A_410 : f32 to vector<64x128xf32>
    %logistic3A_412 = arith.addf %logistic3A_411, %logistic3A_409 : vector<64x128xf32>
    %logistic3A_413 = arith.divf %logistic3A_411, %logistic3A_412 : vector<64x128xf32>
    %slice3A_414 = vector.extract_strided_slice %add3A_402 {offsets = [0, 0], sizes = [64, 128], strides = [1, 1]} : vector<64x512xf32> to vector<64x128xf32>
    %slice3A_415 = vector.extract_strided_slice %dot_general3A_404 {offsets = [64, 0], sizes = [64, 128], strides = [1, 1]} : vector<128x512xf32> to vector<64x128xf32>
    %add3A_416 = arith.addf %slice3A_414, %slice3A_415 : vector<64x128xf32>
    %logistic3A_417 = arith.negf %add3A_416 : vector<64x128xf32>
    %logistic3A_418 = math.exp %logistic3A_417 : vector<64x128xf32>
    %logistic3A_419 = arith.constant 1.000000e+00 : f32
    %logistic3A_420 = vector.broadcast %logistic3A_419 : f32 to vector<64x128xf32>
    %logistic3A_421 = arith.addf %logistic3A_420, %logistic3A_418 : vector<64x128xf32>
    %logistic3A_422 = arith.divf %logistic3A_420, %logistic3A_421 : vector<64x128xf32>
    %slice3A_423 = vector.extract_strided_slice %add3A_393 {offsets = [0, 0], sizes = [64, 128], strides = [1, 1]} : vector<128x128xf32> to vector<64x128xf32>
    %mul3A_424 = arith.mulf %logistic3A_413, %slice3A_423 : vector<64x128xf32>
    %slice3A_425 = vector.extract_strided_slice %add3A_393 {offsets = [64, 0], sizes = [64, 128], strides = [1, 1]} : vector<128x128xf32> to vector<64x128xf32>
    %mul3A_426 = arith.mulf %logistic3A_422, %slice3A_425 : vector<64x128xf32>
    %add3A_427 = arith.addf %mul3A_424, %mul3A_426 : vector<64x128xf32>
    %slice3A_428 = vector.extract_strided_slice %dot_general3A_404 {offsets = [0, 128], sizes = [64, 384], strides = [1, 1]} : vector<128x512xf32> to vector<64x384xf32>
    %slice3A_429 = vector.extract_strided_slice %dot_general3A_404 {offsets = [64, 128], sizes = [64, 384], strides = [1, 1]} : vector<128x512xf32> to vector<64x384xf32>
    %add3A_430 = arith.addf %slice3A_428, %slice3A_429 : vector<64x384xf32>
    %slice3A_431 = vector.extract_strided_slice %add3A_402 {offsets = [0, 128], sizes = [64, 128], strides = [1, 1]} : vector<64x512xf32> to vector<64x128xf32>
    %slice3A_432 = vector.extract_strided_slice %add3A_430 {offsets = [0, 0], sizes = [64, 128], strides = [1, 1]} : vector<64x384xf32> to vector<64x128xf32>
    %add3A_433 = arith.addf %slice3A_431, %slice3A_432 : vector<64x128xf32>
    %logistic3A_434 = arith.negf %add3A_433 : vector<64x128xf32>
    %logistic3A_435 = math.exp %logistic3A_434 : vector<64x128xf32>
    %logistic3A_436 = arith.constant 1.000000e+00 : f32
    %logistic3A_437 = vector.broadcast %logistic3A_436 : f32 to vector<64x128xf32>
    %logistic3A_438 = arith.addf %logistic3A_437, %logistic3A_435 : vector<64x128xf32>
    %logistic3A_439 = arith.divf %logistic3A_437, %logistic3A_438 : vector<64x128xf32>
    %slice3A_440 = vector.extract_strided_slice %add3A_402 {offsets = [0, 256], sizes = [64, 128], strides = [1, 1]} : vector<64x512xf32> to vector<64x128xf32>
    %slice3A_441 = vector.extract_strided_slice %add3A_430 {offsets = [0, 128], sizes = [64, 128], strides = [1, 1]} : vector<64x384xf32> to vector<64x128xf32>
    %add3A_442 = arith.addf %slice3A_440, %slice3A_441 : vector<64x128xf32>
    %logistic3A_443 = arith.negf %add3A_442 : vector<64x128xf32>
    %logistic3A_444 = math.exp %logistic3A_443 : vector<64x128xf32>
    %logistic3A_445 = arith.constant 1.000000e+00 : f32
    %logistic3A_446 = vector.broadcast %logistic3A_445 : f32 to vector<64x128xf32>
    %logistic3A_447 = arith.addf %logistic3A_446, %logistic3A_444 : vector<64x128xf32>
    %logistic3A_448 = arith.divf %logistic3A_446, %logistic3A_447 : vector<64x128xf32>
    %slice3A_449 = vector.extract_strided_slice %add3A_402 {offsets = [0, 384], sizes = [64, 128], strides = [1, 1]} : vector<64x512xf32> to vector<64x128xf32>
    %slice3A_450 = vector.extract_strided_slice %add3A_430 {offsets = [0, 256], sizes = [64, 128], strides = [1, 1]} : vector<64x384xf32> to vector<64x128xf32>
    %add3A_451 = arith.addf %slice3A_449, %slice3A_450 : vector<64x128xf32>
    %tanh3A_452 = math.tanh %add3A_451 : vector<64x128xf32>
    %mul3A_453 = arith.mulf %logistic3A_439, %tanh3A_452 : vector<64x128xf32>
    %add3A_454 = arith.addf %mul3A_453, %add3A_427 : vector<64x128xf32>
    %tanh3A_455 = math.tanh %add3A_454 : vector<64x128xf32>
    %mul3A_456 = arith.mulf %logistic3A_448, %tanh3A_455 : vector<64x128xf32>
    %get3A_457 = arith.constant 16 : index
    %get3A_458 = arith.constant 0 : index
    %get3A_459 = vector.load %arg0[%get3A_457, %get3A_458] : memref<16368x128xf32, #tpu.memory_space<vmem>>, vector<32x128xf32>
    %dot_general3A_460 = arith.constant dense<0.000000e+00> : vector<32x512xf32>
    %dot_general3A_461 = tpu.matmul %get3A_459, %get3A_1, %dot_general3A_460 {dimension_numbers = #tpu.dot_dimension_numbers<[1], [0], [0], [1], [0, 0, 1, 1], [], []>, transpose_lhs_hint = false} : vector<32x128xf32>, vector<128x512xf32>, vector<32x512xf32> -> vector<32x512xf32>
    %add3A_462 = vector.broadcast %get3A_4 : vector<1x512xf32> to vector<32x512xf32>
    %add3A_463 = arith.addf %dot_general3A_461, %add3A_462 : vector<32x512xf32>
    %dot_general3A_464 = arith.constant dense<0.000000e+00> : vector<64x512xf32>
    %dot_general3A_465 = tpu.matmul %mul3A_456, %get3A_7, %dot_general3A_464 {dimension_numbers = #tpu.dot_dimension_numbers<[1], [0], [0], [1], [0, 0, 1, 1], [], []>, transpose_lhs_hint = false} : vector<64x128xf32>, vector<128x512xf32>, vector<64x512xf32> -> vector<64x512xf32>
    %slice3A_466 = vector.extract_strided_slice %add3A_463 {offsets = [0, 0], sizes = [32, 128], strides = [1, 1]} : vector<32x512xf32> to vector<32x128xf32>
    %slice3A_467 = vector.extract_strided_slice %dot_general3A_465 {offsets = [0, 0], sizes = [32, 128], strides = [1, 1]} : vector<64x512xf32> to vector<32x128xf32>
    %add3A_468 = arith.addf %slice3A_466, %slice3A_467 : vector<32x128xf32>
    %logistic3A_469 = arith.negf %add3A_468 : vector<32x128xf32>
    %logistic3A_470 = math.exp %logistic3A_469 : vector<32x128xf32>
    %logistic3A_471 = arith.constant 1.000000e+00 : f32
    %logistic3A_472 = vector.broadcast %logistic3A_471 : f32 to vector<32x128xf32>
    %logistic3A_473 = arith.addf %logistic3A_472, %logistic3A_470 : vector<32x128xf32>
    %logistic3A_474 = arith.divf %logistic3A_472, %logistic3A_473 : vector<32x128xf32>
    %slice3A_475 = vector.extract_strided_slice %add3A_463 {offsets = [0, 0], sizes = [32, 128], strides = [1, 1]} : vector<32x512xf32> to vector<32x128xf32>
    %slice3A_476 = vector.extract_strided_slice %dot_general3A_465 {offsets = [32, 0], sizes = [32, 128], strides = [1, 1]} : vector<64x512xf32> to vector<32x128xf32>
    %add3A_477 = arith.addf %slice3A_475, %slice3A_476 : vector<32x128xf32>
    %logistic3A_478 = arith.negf %add3A_477 : vector<32x128xf32>
    %logistic3A_479 = math.exp %logistic3A_478 : vector<32x128xf32>
    %logistic3A_480 = arith.constant 1.000000e+00 : f32
    %logistic3A_481 = vector.broadcast %logistic3A_480 : f32 to vector<32x128xf32>
    %logistic3A_482 = arith.addf %logistic3A_481, %logistic3A_479 : vector<32x128xf32>
    %logistic3A_483 = arith.divf %logistic3A_481, %logistic3A_482 : vector<32x128xf32>
    %slice3A_484 = vector.extract_strided_slice %add3A_454 {offsets = [0, 0], sizes = [32, 128], strides = [1, 1]} : vector<64x128xf32> to vector<32x128xf32>
    %mul3A_485 = arith.mulf %logistic3A_474, %slice3A_484 : vector<32x128xf32>
    %slice3A_486 = vector.extract_strided_slice %add3A_454 {offsets = [32, 0], sizes = [32, 128], strides = [1, 1]} : vector<64x128xf32> to vector<32x128xf32>
    %mul3A_487 = arith.mulf %logistic3A_483, %slice3A_486 : vector<32x128xf32>
    %add3A_488 = arith.addf %mul3A_485, %mul3A_487 : vector<32x128xf32>
    %slice3A_489 = vector.extract_strided_slice %dot_general3A_465 {offsets = [0, 128], sizes = [32, 384], strides = [1, 1]} : vector<64x512xf32> to vector<32x384xf32>
    %slice3A_490 = vector.extract_strided_slice %dot_general3A_465 {offsets = [32, 128], sizes = [32, 384], strides = [1, 1]} : vector<64x512xf32> to vector<32x384xf32>
    %add3A_491 = arith.addf %slice3A_489, %slice3A_490 : vector<32x384xf32>
    %slice3A_492 = vector.extract_strided_slice %add3A_463 {offsets = [0, 128], sizes = [32, 128], strides = [1, 1]} : vector<32x512xf32> to vector<32x128xf32>
    %slice3A_493 = vector.extract_strided_slice %add3A_491 {offsets = [0, 0], sizes = [32, 128], strides = [1, 1]} : vector<32x384xf32> to vector<32x128xf32>
    %add3A_494 = arith.addf %slice3A_492, %slice3A_493 : vector<32x128xf32>
    %logistic3A_495 = arith.negf %add3A_494 : vector<32x128xf32>
    %logistic3A_496 = math.exp %logistic3A_495 : vector<32x128xf32>
    %logistic3A_497 = arith.constant 1.000000e+00 : f32
    %logistic3A_498 = vector.broadcast %logistic3A_497 : f32 to vector<32x128xf32>
    %logistic3A_499 = arith.addf %logistic3A_498, %logistic3A_496 : vector<32x128xf32>
    %logistic3A_500 = arith.divf %logistic3A_498, %logistic3A_499 : vector<32x128xf32>
    %slice3A_501 = vector.extract_strided_slice %add3A_463 {offsets = [0, 256], sizes = [32, 128], strides = [1, 1]} : vector<32x512xf32> to vector<32x128xf32>
    %slice3A_502 = vector.extract_strided_slice %add3A_491 {offsets = [0, 128], sizes = [32, 128], strides = [1, 1]} : vector<32x384xf32> to vector<32x128xf32>
    %add3A_503 = arith.addf %slice3A_501, %slice3A_502 : vector<32x128xf32>
    %logistic3A_504 = arith.negf %add3A_503 : vector<32x128xf32>
    %logistic3A_505 = math.exp %logistic3A_504 : vector<32x128xf32>
    %logistic3A_506 = arith.constant 1.000000e+00 : f32
    %logistic3A_507 = vector.broadcast %logistic3A_506 : f32 to vector<32x128xf32>
    %logistic3A_508 = arith.addf %logistic3A_507, %logistic3A_505 : vector<32x128xf32>
    %logistic3A_509 = arith.divf %logistic3A_507, %logistic3A_508 : vector<32x128xf32>
    %slice3A_510 = vector.extract_strided_slice %add3A_463 {offsets = [0, 384], sizes = [32, 128], strides = [1, 1]} : vector<32x512xf32> to vector<32x128xf32>
    %slice3A_511 = vector.extract_strided_slice %add3A_491 {offsets = [0, 256], sizes = [32, 128], strides = [1, 1]} : vector<32x384xf32> to vector<32x128xf32>
    %add3A_512 = arith.addf %slice3A_510, %slice3A_511 : vector<32x128xf32>
    %tanh3A_513 = math.tanh %add3A_512 : vector<32x128xf32>
    %mul3A_514 = arith.mulf %logistic3A_500, %tanh3A_513 : vector<32x128xf32>
    %add3A_515 = arith.addf %mul3A_514, %add3A_488 : vector<32x128xf32>
    %tanh3A_516 = math.tanh %add3A_515 : vector<32x128xf32>
    %mul3A_517 = arith.mulf %logistic3A_509, %tanh3A_516 : vector<32x128xf32>
    %get3A_518 = arith.constant 0 : index
    %get3A_519 = arith.constant 0 : index
    %get3A_520 = vector.load %arg0[%get3A_518, %get3A_519] : memref<16368x128xf32, #tpu.memory_space<vmem>>, vector<16x128xf32>
    %dot_general3A_521 = arith.constant dense<0.000000e+00> : vector<16x512xf32>
    %dot_general3A_522 = tpu.matmul %get3A_520, %get3A_1, %dot_general3A_521 {dimension_numbers = #tpu.dot_dimension_numbers<[1], [0], [0], [1], [0, 0, 1, 1], [], []>, transpose_lhs_hint = false} : vector<16x128xf32>, vector<128x512xf32>, vector<16x512xf32> -> vector<16x512xf32>
    %add3A_523 = vector.broadcast %get3A_4 : vector<1x512xf32> to vector<16x512xf32>
    %add3A_524 = arith.addf %dot_general3A_522, %add3A_523 : vector<16x512xf32>
    %dot_general3A_525 = arith.constant dense<0.000000e+00> : vector<32x512xf32>
    %dot_general3A_526 = tpu.matmul %mul3A_517, %get3A_7, %dot_general3A_525 {dimension_numbers = #tpu.dot_dimension_numbers<[1], [0], [0], [1], [0, 0, 1, 1], [], []>, transpose_lhs_hint = false} : vector<32x128xf32>, vector<128x512xf32>, vector<32x512xf32> -> vector<32x512xf32>
    %slice3A_527 = vector.extract_strided_slice %add3A_524 {offsets = [0, 0], sizes = [16, 128], strides = [1, 1]} : vector<16x512xf32> to vector<16x128xf32>
    %slice3A_528 = vector.extract_strided_slice %dot_general3A_526 {offsets = [0, 0], sizes = [16, 128], strides = [1, 1]} : vector<32x512xf32> to vector<16x128xf32>
    %add3A_529 = arith.addf %slice3A_527, %slice3A_528 : vector<16x128xf32>
    %logistic3A_530 = arith.negf %add3A_529 : vector<16x128xf32>
    %logistic3A_531 = math.exp %logistic3A_530 : vector<16x128xf32>
    %logistic3A_532 = arith.constant 1.000000e+00 : f32
    %logistic3A_533 = vector.broadcast %logistic3A_532 : f32 to vector<16x128xf32>
    %logistic3A_534 = arith.addf %logistic3A_533, %logistic3A_531 : vector<16x128xf32>
    %logistic3A_535 = arith.divf %logistic3A_533, %logistic3A_534 : vector<16x128xf32>
    %slice3A_536 = vector.extract_strided_slice %add3A_524 {offsets = [0, 0], sizes = [16, 128], strides = [1, 1]} : vector<16x512xf32> to vector<16x128xf32>
    %slice3A_537 = vector.extract_strided_slice %dot_general3A_526 {offsets = [16, 0], sizes = [16, 128], strides = [1, 1]} : vector<32x512xf32> to vector<16x128xf32>
    %add3A_538 = arith.addf %slice3A_536, %slice3A_537 : vector<16x128xf32>
    %logistic3A_539 = arith.negf %add3A_538 : vector<16x128xf32>
    %logistic3A_540 = math.exp %logistic3A_539 : vector<16x128xf32>
    %logistic3A_541 = arith.constant 1.000000e+00 : f32
    %logistic3A_542 = vector.broadcast %logistic3A_541 : f32 to vector<16x128xf32>
    %logistic3A_543 = arith.addf %logistic3A_542, %logistic3A_540 : vector<16x128xf32>
    %logistic3A_544 = arith.divf %logistic3A_542, %logistic3A_543 : vector<16x128xf32>
    %slice3A_545 = vector.extract_strided_slice %add3A_515 {offsets = [0, 0], sizes = [16, 128], strides = [1, 1]} : vector<32x128xf32> to vector<16x128xf32>
    %mul3A_546 = arith.mulf %logistic3A_535, %slice3A_545 : vector<16x128xf32>
    %slice3A_547 = vector.extract_strided_slice %add3A_515 {offsets = [16, 0], sizes = [16, 128], strides = [1, 1]} : vector<32x128xf32> to vector<16x128xf32>
    %mul3A_548 = arith.mulf %logistic3A_544, %slice3A_547 : vector<16x128xf32>
    %add3A_549 = arith.addf %mul3A_546, %mul3A_548 : vector<16x128xf32>
    %slice3A_550 = vector.extract_strided_slice %dot_general3A_526 {offsets = [0, 128], sizes = [16, 384], strides = [1, 1]} : vector<32x512xf32> to vector<16x384xf32>
    %slice3A_551 = vector.extract_strided_slice %dot_general3A_526 {offsets = [16, 128], sizes = [16, 384], strides = [1, 1]} : vector<32x512xf32> to vector<16x384xf32>
    %add3A_552 = arith.addf %slice3A_550, %slice3A_551 : vector<16x384xf32>
    %slice3A_553 = vector.extract_strided_slice %add3A_524 {offsets = [0, 128], sizes = [16, 128], strides = [1, 1]} : vector<16x512xf32> to vector<16x128xf32>
    %slice3A_554 = vector.extract_strided_slice %add3A_552 {offsets = [0, 0], sizes = [16, 128], strides = [1, 1]} : vector<16x384xf32> to vector<16x128xf32>
    %add3A_555 = arith.addf %slice3A_553, %slice3A_554 : vector<16x128xf32>
    %logistic3A_556 = arith.negf %add3A_555 : vector<16x128xf32>
    %logistic3A_557 = math.exp %logistic3A_556 : vector<16x128xf32>
    %logistic3A_558 = arith.constant 1.000000e+00 : f32
    %logistic3A_559 = vector.broadcast %logistic3A_558 : f32 to vector<16x128xf32>
    %logistic3A_560 = arith.addf %logistic3A_559, %logistic3A_557 : vector<16x128xf32>
    %logistic3A_561 = arith.divf %logistic3A_559, %logistic3A_560 : vector<16x128xf32>
    %slice3A_562 = vector.extract_strided_slice %add3A_524 {offsets = [0, 256], sizes = [16, 128], strides = [1, 1]} : vector<16x512xf32> to vector<16x128xf32>
    %slice3A_563 = vector.extract_strided_slice %add3A_552 {offsets = [0, 128], sizes = [16, 128], strides = [1, 1]} : vector<16x384xf32> to vector<16x128xf32>
    %add3A_564 = arith.addf %slice3A_562, %slice3A_563 : vector<16x128xf32>
    %logistic3A_565 = arith.negf %add3A_564 : vector<16x128xf32>
    %logistic3A_566 = math.exp %logistic3A_565 : vector<16x128xf32>
    %logistic3A_567 = arith.constant 1.000000e+00 : f32
    %logistic3A_568 = vector.broadcast %logistic3A_567 : f32 to vector<16x128xf32>
    %logistic3A_569 = arith.addf %logistic3A_568, %logistic3A_566 : vector<16x128xf32>
    %logistic3A_570 = arith.divf %logistic3A_568, %logistic3A_569 : vector<16x128xf32>
    %slice3A_571 = vector.extract_strided_slice %add3A_524 {offsets = [0, 384], sizes = [16, 128], strides = [1, 1]} : vector<16x512xf32> to vector<16x128xf32>
    %slice3A_572 = vector.extract_strided_slice %add3A_552 {offsets = [0, 256], sizes = [16, 128], strides = [1, 1]} : vector<16x384xf32> to vector<16x128xf32>
    %add3A_573 = arith.addf %slice3A_571, %slice3A_572 : vector<16x128xf32>
    %tanh3A_574 = math.tanh %add3A_573 : vector<16x128xf32>
    %mul3A_575 = arith.mulf %logistic3A_561, %tanh3A_574 : vector<16x128xf32>
    %add3A_576 = arith.addf %mul3A_575, %add3A_549 : vector<16x128xf32>
    %tanh3A_577 = math.tanh %add3A_576 : vector<16x128xf32>
    %mul3A_578 = arith.mulf %logistic3A_570, %tanh3A_577 : vector<16x128xf32>
    %get3A_579 = arith.constant 0 : index
    %get3A_580 = arith.constant 0 : index
    %get3A_581 = vector.load %arg4[%get3A_579, %get3A_580] : memref<128x5xf32, #tpu.memory_space<vmem>>, vector<128x5xf32>
    %dot_general3A_582 = arith.constant dense<0.000000e+00> : vector<16x5xf32>
    %dot_general3A_583 = tpu.matmul %mul3A_578, %get3A_581, %dot_general3A_582 {dimension_numbers = #tpu.dot_dimension_numbers<[1], [0], [0], [1], [0, 0, 1, 1], [], []>, transpose_lhs_hint = false} : vector<16x128xf32>, vector<128x5xf32>, vector<16x5xf32> -> vector<16x5xf32>
    %get3A_584 = arith.constant 0 : index
    %get3A_585 = arith.constant 0 : index
    %get3A_586 = vector.load %arg5[%get3A_584, %get3A_585] : memref<1x5xf32, #tpu.memory_space<vmem>>, vector<1x5xf32>
    %add3A_587 = vector.broadcast %get3A_586 : vector<1x5xf32> to vector<16x5xf32>
    %add3A_588 = arith.addf %dot_general3A_583, %add3A_587 : vector<16x5xf32>
    %swap3A = arith.constant 0 : index
    %swap3A_589 = arith.constant 0 : index
    %swap3A_590 = vector.load %arg6[%swap3A, %swap3A_589] : memref<16x5xf32, #tpu.memory_space<vmem>>, vector<16x5xf32>
    tpu.vector_store %arg6[%swap3A, %swap3A_589], %add3A_588 {strides = array<i32>} : memref<16x5xf32, #tpu.memory_space<vmem>>, vector<16x5xf32>,
    return
  }
}

</mosaic_0001>

<sc_bundles>
// kernel: gather_offload_async_start
scs
__scs_entry_jumppad:
0x0: {  	(pc) =	sbr.rel $0x88, $3  }
0x1: {  	(tag) =	ssettag $0x0;
	lr =	simm.s32 $0x1  }
0x2: {  	[smem:$0x3F92] =	sst lr;
	_ =	strace $0xD0000000  }
0x3: {  	_ = 	snop  }
0x4: {  	_ = 	snop  }
0x5: {  	_ = 	snop  }
0x6: {  	_ = 	snop  }
0x7: {  	_ = 	snop  }
__scs_overlays_trampoline_lowered:
0x8: {  	[smem:$0x3FA1] =	sst s0  }
0x9: {  	[smem:$0x3FA2] =	sst s1  }
0xa: {  	[smem:$0x3FA3] =	sst s2  }
0xb: {  	[smem:$0x3FA4] =	sst s3  }
0xc: {  	[smem:$0x3FA5] =	sst s4  }
0xd: {  	[smem:$0x3FA6] =	sst s5  }
0xe: {  	[smem:$0x3FA7] =	sst s6  }
0xf: {  	[smem:$0x3FA8] =	sst s7  }
0x10: {  	[smem:$0x3FA9] =	sst s8  }
0x11: {  	[smem:$0x3FAA] =	sst s9;
	s0 =	simm.s32 @!p0 $0x0  }
0x12: {  	s1 =	sld [smem:$0x3F90];
	s0 =	simm.s32 @p0 $0x1  }
0x13: {  	[smem:$0x3FAB] =	sst s0;
	s0 =	simm.s32 @!p1 $0x0  }
0x14: {  	s2 =	sld [smem:$0x3F8F];
	s0 =	simm.s32 @p1 $0x1  }
0x15: {  	[smem:$0x3FAC] =	sst s0;
	s0 =	simm.s32 @!p2 $0x0  }
0x16: {  	s3 =	sld [smem:$0x3FDB];
	s0 =	simm.s32 @p2 $0x1  }
0x17: {  	s4 =	simm.s32 $0x1BF5;
	[smem:$0x3FAE] =	sst s0  }
0x18: {  	s0 =	sld [smem:$0x3F91];
	_ =	swait.ge [sflag:s4], $0x0  }
0x19: {  	s7 =	sld [smem:$0x3F92]  }
0x1a: {  	s8 =	sadd.s32 $0xFFFFE003, lr  }
0x1b: {  	s9 =	sadd.s32 $0xFFFFFEF7, lr;
	s5 =	simm.s32 $0xFFFFFFFF;
	p2 =	slt.u32 s8, $0xFFFFF086  }
0x1c: {  	p1 =	slt.u32 s9, $0xF7A;
	s5 =	simm.s32 @!p2 $0x0  }
0x1d: {  	s5 =	simm.s32 @p1 $0x1;
	p0 =	seq.s32 s7, s2  }
0x1e: {  	s7 =	smul.u32 @!p0 $0xF7A, s2;
	p2 =	seq.s32 @!p0 s5, $0x0  }
0x1f: {  	s9 =	smul.u32 $0xF7A, s1;
	s8 =	simm.s32 @!p0 $0x1BF5;
	p2 =	por !p2, p0  }
0x20: {  	[sflag:s8] =	ssyncset.s32 @!p0 $0xFFFFF086;
	s6 =	sadd.s32 @!p0 s3, s7;
	s7 =	simm.s32 @!p0 $0x108  }
0x21: {  	s3 =	sadd.s32 s3, s9;
	s6 =	sadd.s32 @!p0 $0x88, s6;
	s7 =	simm.s32 @p2 $0x1082  }
0x22: {  	[simem:s7], [sflag:s8] =	dma.local @!p0 [hbm:s6], $0xF7A  }
0x23: {  	s9 =	sor.u32 $0xD0000000, s2;
	s6 =	simm.s32 $0x108;
	_ =	swait.ge @!p0 [sflag:s8], $0x0  }
0x24: {  	s3 =	sadd.s32 $0x88, s3;
	s6 =	simm.s32 @!p1 $0x1082;
	[sflag:s4] =	ssyncset.s32 $0xFFFFF086  }
0x25: {  	[simem:s6], [sflag:s4] =	dma.local [hbm:s3], $0xF7A  }
0x26: {  	[smem:$0x3F92] =	sst s1;
	(tag) =	ssettag s2;
	_ =	strace s9  }
0x27: {  	s1 =	sld [smem:$0x3FA2]  }
0x28: {  	s2 =	sld [smem:$0x3FA3]  }
0x29: {  	s4 =	sld [smem:$0x3FA5]  }
0x2a: {  	p0 =	seq.s32 s5, $0x0;
	s5 =	sld [smem:$0x3FA6]  }
0x2b: {  	s6 =	sld [smem:$0x3FA7]  }
0x2c: {  	s7 =	sld [smem:$0x3FA8]  }
0x2d: {  	s3 =	simm.s32 $0x108;
	s8 =	sld [smem:$0x3FA9]  }
0x2e: {  	s3 =	simm.s32 @!p0 $0x1082;
	s9 =	sld [smem:$0x3FAA]  }
0x2f: {  	lr =	sadd.s32 s0, s3;
	s0 =	sld [smem:$0x3FA1]  }
0x30: {  	s3 =	sld [smem:$0x3FA4]  }
0x31: {  	[smem:$0x3FAD] =	sst s10  }
0x32: {  	s10 =	sld [smem:$0x3FAB];
	_ =	sdelay $0x3  }
0x33: {  	p0 =	seq.s32 s10, $0x1;
	s10 =	sld [smem:$0x3FAD];
	_ =	sdelay $0x3  }
0x34: {  	[smem:$0x3FAD] =	sst s10  }
0x35: {  	s10 =	sld [smem:$0x3FAC];
	_ =	sdelay $0x3  }
0x36: {  	p1 =	seq.s32 s10, $0x1;
	s10 =	sld [smem:$0x3FAD];
	_ =	sdelay $0x3  }
0x37: {  	[smem:$0x3FAD] =	sst s10  }
0x38: {  	s10 =	sld [smem:$0x3FAE]  }
0x39: {  	_ = 	snop;
	(pc) =	sbr.ind lr, $3  }
0x3a: {  	_ = 	snop  }
0x3b: {  	_ = 	snop  }
0x3c: {  	p2 =	seq.s32 s10, $0x1;
	s10 =	sld [smem:$0x3FAD]  }
0x3d: {  	_ =	shalt  }
0x3e: {  	_ =	shalt  }
0x3f: {  	_ =	shalt  }
0x40: {  	_ =	shalt  }
0x41: {  	_ =	shalt  }
0x42: {  	_ =	shalt  }
0x43: {  	_ =	shalt  }
0x44: {  	_ =	shalt  }
0x45: {  	_ =	shalt  }
0x46: {  	_ =	shalt  }
0x47: {  	_ =	shalt  }
0x48: {  	_ =	shalt  }
0x49: {  	_ =	shalt  }
0x4a: {  	_ =	shalt  }
0x4b: {  	_ =	shalt  }
0x4c: {  	_ =	shalt  }
0x4d: {  	_ =	shalt  }
0x4e: {  	_ =	shalt  }
0x4f: {  	_ =	shalt  }
0x50: {  	_ =	shalt  }
0x51: {  	_ =	shalt  }
0x52: {  	_ =	shalt  }
0x53: {  	_ =	shalt  }
0x54: {  	_ =	shalt  }
0x55: {  	_ =	shalt  }
0x56: {  	_ =	shalt  }
0x57: {  	_ =	shalt  }
0x58: {  	_ =	shalt  }
0x59: {  	_ =	shalt  }
0x5a: {  	_ =	shalt  }
0x5b: {  	_ =	shalt  }
0x5c: {  	_ =	shalt  }
0x5d: {  	_ =	shalt  }
0x5e: {  	_ =	shalt  }
0x5f: {  	_ =	shalt  }
0x60: {  	_ =	shalt  }
0x61: {  	_ =	shalt  }
0x62: {  	_ =	shalt  }
0x63: {  	_ =	shalt  }
0x64: {  	_ =	shalt  }
0x65: {  	_ =	shalt  }
0x66: {  	_ =	shalt  }
0x67: {  	_ =	shalt  }
0x68: {  	_ =	shalt  }
0x69: {  	_ =	shalt  }
0x6a: {  	_ =	shalt  }
0x6b: {  	_ =	shalt  }
0x6c: {  	_ =	shalt  }
0x6d: {  	_ =	shalt  }
0x6e: {  	_ =	shalt  }
0x6f: {  	_ =	shalt  }
0x70: {  	_ =	shalt  }
0x71: {  	_ =	shalt  }
0x72: {  	_ =	shalt  }
0x73: {  	_ =	shalt  }
0x74: {  	_ =	shalt  }
0x75: {  	_ =	shalt  }
0x76: {  	_ =	shalt  }
0x77: {  	_ =	shalt  }
0x78: {  	_ =	shalt  }
0x79: {  	_ =	shalt  }
0x7a: {  	_ =	shalt  }
0x7b: {  	_ =	shalt  }
0x7c: {  	_ =	shalt  }
0x7d: {  	_ =	shalt  }
0x7e: {  	_ =	shalt  }
0x7f: {  	_ =	shalt  }
0x80: {  	_ =	shalt  }
0x81: {  	_ =	shalt  }
0x82: {  	_ =	shalt  }
0x83: {  	_ =	shalt  }
0x84: {  	_ =	shalt  }
0x85: {  	_ =	shalt  }
0x86: {  	_ =	shalt  }
0x87: {  	_ =	shalt  }
.Lfunc_end0:
.L_simem_size_0:
called_computation_lowered:
.L_overlay_start_0:
0x88: {  	s0 =	sld [smem:$0x3FD9]  }
0x89: {  	s1 =	sld [smem:$0x3FFE];
	_ =	sdelay $0x3  }
0x8a: {  	s0 =	sadd.s32 s1, s0  }
0x8b: {  	[smem:$0x3FB9] =	sst s0  }
0x8c: {  	_ = 	snop  }
0x8d: {  	s0 =	sld [smem:$0x3FC9];
	(tm) =	ssettm $0x1  }
0x8e: {  	s16 =	sld [smem:$0x3FFB];
	_ =	sdelay $0x3  }
0x8f: {  	_ =	strace s16  }
0x90: {  	s1 =	sld [smem:$0x3FFC];
	_ =	sdelay $0x3  }
0x91: {  	_ =	strace s1  }
0x92: {  	s1 =	sld [smem:$0x3FFD];
	_ =	sdelay $0x3  }
0x93: {  	_ =	strace s1  }
0x94: {  	_ =	strace $0x8FFFFFFF  }
0x95: {  	s17 =	sld [smem:$0x3FDB];
	_ =	sdelay $0x1  }
0x96: {  	s2 =	simm.s32 $_scs_section_size  }
0x97: {  	s3 =	simm.s32 $_size__tile_overlayer_lowered;
	s4 =	simm.s32 $_tile_overlayer_lowered  }
0x98: {  	s20 =	simm.s32 $0x1BFF;
	s19 =	sshll.u32 s4, $0x1;
	s1 =	sadd.s32 s2, s17  }
0x99: {  	s5 =	simm.s32 $0x0;
	s18 =	sshll.u32 s3, $0x1;
	s3 =	sadd.s32 s19, s1  }
0x9a: {  	[timem:s5], [sflag:s20] =	dma.local [hbm:s3], s18  }
0x9b: {  	_ =	swait.ge [sflag:s20], s18  }
0x9c: {  	s2 =	ssub.s32 $0x0, s18;
	[sflag:s20] =	ssyncset.done $0x0  }
0x9d: {  	[sflag:s20] =	ssyncadd.s32 s2;
	_ =	sdelay $0x1  }
0x9e: {  	s21 =	simm.s32 $0x1B8B  }
0x9f: {  	_ =	swait.ge [sflag:s21], $0x1  }
0xa0: {  	[sflag:s21] =	ssyncset.done $0x0  }
0xa1: {  	s23 =	simm.s32 $0x1B8E;
	s22 =	sld [smem:$0x3FFE];
	[sflag:s21] =	ssyncadd.s32 $0xFFFFFFFF  }
0xa2: {  	s24 =	simm.s32 $execute0_lowered;
	[smem:$0x3FD2] =	sst s23  }
0xa3: {  	s3 =	sshll.u32 s24, $0x1;
	_ =	strace $0x80000046;
	[dreg:$0x1] =	wrdreg $0xFFFFFFFF  }
0xa4: {  	s25 =	simm.s32 $_size_execute0_lowered;
	s1 =	sadd.s32 s1, s3;
	[dreg:$0x0] =	wrdreg $0x0  }
0xa5: {  	s3 =	sshll.u32 s25, $0x1;
	[dreg:$0x2] =	wrdreg s1  }
0xa6: {  	[dreg:$0x3] =	wrdreg s3  }
0xa7: {  	[dreg:$0x4] =	wrdreg $0xC0  }
0xa8: {  	_ =	task [dreg:s5], $0x5FFFF  }
0xa9: {  	[dreg:$0x1] =	wrdreg $0xFFFFFFFF  }
0xaa: {  	[dreg:$0x0] =	wrdreg $0x60  }
0xab: {  	[dreg:$0x2] =	wrdreg s0  }
0xac: {  	[dreg:$0x3] =	wrdreg s22  }
0xad: {  	[dreg:$0x4] =	wrdreg $0x9  }
0xae: {  	_ =	task.clear_ibuf [dreg:s5], $0x5FFFF;
	_ =	strace $0x90000046  }
0xaf: {  	s26 =	simm.s32 $0x9;
	_ =	strace $0x80000048  }
0xb0: {  	_ =	swait.ge [sflag:s26], $0x1  }
0xb1: {  	[sflag:s26] =	ssyncadd.s32 $0xFFFFFFFF  }
0xb2: {  	_ =	strace $0x90000048  }
0xb3: {  	_ =	sfence  }
0xb4: {  	s28 =	sld [smem:$0x0];
	_ =	sdelay $0x1  }
0xb5: {  	s29 =	srdreg.scid  }
0xb6: {  	s30 =	sshll.u32 s29, $0xD;
	s31 =	sshrl.u32 s29, $0x2  }
0xb7: {  	s2 =	sand.u32 $0x4000, s30;
	s1 =	sand.u32 $0x1, s29;
	s0 =	sadd.s32 s31, s28  }
0xb8: {  	s1 =	sor.u32 s2, s1;
	s0 =	sshll.u32 s0, $0x11  }
0xb9: {  	s0 =	sor.u32 s0, s1  }
0xba: {  	s0 =	sadd.s32 $0x8F2B, s0  }
0xbb: {  	[sflag:s0] =	ssyncadd.remote.s32 $0x1  }
0xbc: {  	_ =	sfence.sel $0xFFFF  }
0xbd: {  	[dreg:$0x0] =	wrdreg $0xFFFFFFFF;
	(pc) =	sbr.abs _section_cstart, $3  }
0xbe: {  	[dreg:$0x1] =	wrdreg $0xFFFFFFFF  }
0xbf: {  	_ =	task.clear_ibuf [dreg:s5], $0x2FFFF;
	_ =	strace $0x9FFFFFFF  }
0xc0: {  	(tm) =	ssettm $0x7FFFFFFF  }
0xc1: {  	_ =	shalt  }
tec
execute0_lowered:
.L_overlay_start_1:
0x0: {  	(tag) =	ssettag $0x1  }
0x1: {  	s1 =	stileid.u32  }
0x2: {  	s0 =	simm.s32 $0x1;
	p0 =	sne.s32 s1, $0x0  }
0x3: {  	s2 =	sshll.u32 s1, $0x1;
	s0 =	simm.s32 @!p0 $0x0  }
0x4: {  	s0 =	sor.u32 s0, s2  }
0x5: {  	p1 =	seq.s32 s1, $0x0;
	s1 =	simm.s32 $0x5D0;
	s0 =	smul.u32 $0x1F0, s0  }
0x6: {  	s1 =	simm.s32 @!p1 $0x3E0  }
0x7: {  	s1 =	sadd.s32 s1, s0  }
0x8: {  	s2 =	smin.u32 s1, $0x3FF0  }
0x9: {  	s6 =	ssub.s32 s2, s0  }
0xa: {  	p1 =	sgt.s32 s6, $0x0  }
0xb: {  	s6 =	simm.s32 @!p1 $0x0  }
0xc: {  	s31 =	sand.u32 $0xFFF0, s6  }
0xd: {  	s1 =	sshrl.u32 s31, $0x4  }
0xe: {  	s3 =	rddreg [dreg:$0x0];
	s1 =	smul.u32 $0x1085, s1  }
0xf: {  	s8 =	rddreg [dreg:$0x1];
	s5 =	simm.s32 $0x1  }
0x10: {  	s10 =	simm.s32 $0x3;
	s12 =	simm.s32 $0x0;
	s7 =	sshrl.u32 s1, $0x11  }
0x11: {  	s11 =	simm.s32 $0x0;
	s4 =	sadd.s32 $0x2400, s8;
	s9 =	smul.u32 $0x1F0, s7  }
.Ltmp0:
0x12: {  	s8 =	sadd.s32 $0x2C00, s8;
	s1 =	rddreg [dreg:$0x2];
	(pc) =	sbr.rel .LBB2_1-.Ltmp0, $4  }
0x13: {  	_ =	strace $0x80000047;
	p1 =	sne.s32 s6, s9;
	s9 =	simm.s32 $0x1  }
0x14: {  	[sflag:s5] =	ssyncpa.u1 $0x0;
	s6 =	simm.s32 $0x2;
	s9 =	simm.s32 @!p1 $0x0  }
0x15: {  	[sflag:s6] =	ssyncpa.u1 $0x0;
	p1 =	por $0x0, $0x0;
	s7 =	sadd.s32 s7, s9  }
0x16: {  	vm0 =	vmmov $0xff;
	vm1 =	vcmask $0x3F20;
	[sflag:s10] =	ssyncpa.u1 $0x0;
	s10 =	smov.u32 s0;
	s9 =	sadd.s32 $0x1, s7  }
.LBB2_6:
0x17: {  	[hbm:s16] =	stream.linear.scatter [tilespmem:s13], [sflag:$0x3], $0x400, $0x38;
	[tilespmem:$0x1F3E0] =	vst v63  }
.LBB2_7:
0x18: {  	s12 =	sadd.s32 $0x1F0, s10  }
0x19: {  	s14 =	smov.u32 s0;
	p3 =	slt.s32 s12, s2  }
0x1a: {  	s14 =	smov.u32 @p3 s12;
	p3 =	sne.s32 s11, s9  }
.Ltmp1:
0x1b: {  	p2 =	slt.u32 s11, $0x2;
	(pc) =	sbr.rel @!p3 .LBB2_8-.Ltmp1, $4  }
0x1c: {  	s13 =	simm.s32 @!p2 $0x3  }
0x1d: {  	s15 =	sadd.s32 $0x1, s11;
	_ =	swait.ge @!p2 [sflag:s13], $0xF800  }
0x1e: {  	p1 =	por !p1, !p1;
	s12 =	smov.u32 s10;
	[sflag:s13] =	ssyncset.done @!p2 $0x0  }
0x1f: {  	s11 =	smov.u32 s15;
	s10 =	smov.u32 s14;
	[sflag:s13] =	ssyncadd.s32 @!p2 $0xFFFF0800  }
.LBB2_1:
0x20: {  	p2 =	sge.u32 s11, s7  }
0x21: {  	s13 =	sxor.u32 @!p2 $0xFFFFFFFF, s11  }
0x22: {  	s13 =	sand.u32 @!p2 $0x1, s13  }
0x23: {  	s13 =	smul.u32 @!p2 $0x7C0, s13  }
0x24: {  	s31 =	sadd.s32 $0xFFFFFFFF, s11;
	s14 =	sshrl.u32 @!p2 s10, $0x3  }
0x25: {  	s15 =	sand.u32 @!p2 $0x7, s10;
	s14 =	sadd.s32 @!p2 s4, s14;
	s13 =	sshrl.u32 @!p2 s13, $0x2  }
0x26: {  	[tilespmem:s13], [sflag:$0x2] =	stream.linear.gather @!p2 [hbm4b:s14+s15], $0x1F0, $0x38;
	[tilespmem:$0x1F3E0] =	vst v63  }
0x27: {  	p2 =	sge.u32 s31, s7  }
.Ltmp2:
0x28: {  	_ = 	snop;
	(pc) =	sbr.rel @p2 .LBB2_7-.Ltmp2, $1  }
0x29: {  	_ =	sdelay $0x3  }
0x2a: {  	s13 =	simm.s32 $0x1  }
0x2b: {  	s13 =	simm.s32 @!p1 $0x0  }
0x2c: {  	s14 =	smul.u32 $0x7C0, s13  }
0x2d: {  	_ =	swait.ge [sflag:s6], $0x1F0  }
0x2e: {  	[sflag:s6] =	ssyncset.done $0x0;
	s15 =	sshrl.u32 s14, $0x2  }
0x2f: {  	[sflag:s6] =	ssyncadd.s32 $0xFFFFFE10;
	s14 =	sadd.s32 $0x0, s15  }
0x30: {  	v0 =	vld.msk [tilespmem:s14+$0x0 ss:$0x1], $0xffff;
	_ =	sdelay $0x4  }
0x31: {  	vm2 =	vgt.s32 v0, $0x0  }
0x32: {  	v0 =	vnsel vm2, $0x0, v0  }
0x33: {  	v0 =	vmin.u32 v0, $0x3FEF  }
0x34: {  	v0 =	vshll.u32 v0, $0x4  }
0x35: {  	s13 =	smul.u32 $0x3E000, s13;
	_ =	sdelay $0x1  }
0x36: {  	s13 =	sshrl.u32 s13, $0x2  }
0x37: {  	s13 =	sor.u32 $0x3E0, s13  }
0x38: {  	[tilespmem:s13], [sflag:$0x1] =	stream.indirect_vreg.gather [hbm:s3], $0x80, v0, vm0, $0x38;
	[tilespmem:$0x1F3E0] =	vst v63  }
0x39: {  	s16 =	sadd.s32 $0x10, s15;
	s14 =	sadd.s32 $0x400, s13  }
0x3a: {  	[tilespmem:s14], [sflag:$0x1] =	stream.indirect_vreg.gather [hbm:s3], $0x80, v0, vm1, $0x38;
	[tilespmem:$0x1F3E0] =	vst v63  }
0x3b: {  	s17 =	simm.s32 $0x80;
	v0 =	vld.msk [tilespmem:s16+$0x0 ss:$0x1], $0xffff;
	s16 =	smov.u32 s13  }
.LBB2_3:
0x3c: {  	p2 =	sne.s32 s17, $0x780;
	_ =	sdelay $0x4  }
0x3d: {  	vm2 =	vgt.s32 v0, $0x0  }
0x3e: {  	v0 =	vnsel vm2, $0x0, v0  }
0x3f: {  	v0 =	vmin.u32 v0, $0x3FEF  }
0x40: {  	v0 =	vshll.u32 v0, $0x4;
	_ =	sdelay $0x3  }
.Ltmp3:
0x41: {  	s18 =	sshra.s32 s17, $0x2;
	s16 =	sadd.s32 $0x800, s16;
	(pc) =	sbr.rel @p2 .LBB2_3-.Ltmp3, $4  }
0x42: {  	[tilespmem:s16], [sflag:$0x1] =	stream.indirect_vreg.gather [hbm:s3], $0x80, v0, vm0, $0x38;
	[tilespmem:$0x1F3E0] =	vst v63  }
0x43: {  	s18 =	sadd.s32 s18, s15;
	s19 =	sadd.s32 $0x400, s16  }
0x44: {  	[tilespmem:s19], [sflag:$0x1] =	stream.indirect_vreg.gather [hbm:s3], $0x80, v0, vm1, $0x38;
	[tilespmem:$0x1F3E0] =	vst v63  }
0x45: {  	s17 =	sadd.s32 $0x40, s17;
	v0 =	vld.msk [tilespmem:s18+$0x0 ss:$0x1], $0xffff  }
0x46: {  	_ =	sdelay $0x3  }
0x47: {  	vm2 =	vgt.s32 v0, $0x0  }
0x48: {  	v0 =	vnsel vm2, $0x0, v0  }
0x49: {  	v0 =	vmin.u32 v0, $0x3FEF  }
0x4a: {  	v0 =	vshll.u32 v0, $0x4;
	_ =	sdelay $0x3  }
0x4b: {  	s15 =	sadd.s32 $0x800, s16  }
0x4c: {  	[tilespmem:s15], [sflag:$0x1] =	stream.indirect_vreg.gather [hbm:s3], $0x80, v0, vm0, $0x38;
	[tilespmem:$0x1F3E0] =	vst v63  }
0x4d: {  	s15 =	sadd.s32 $0x400, s15  }
0x4e: {  	[tilespmem:s15], [sflag:$0x1] =	stream.indirect_vreg.gather [hbm:s3], $0x80, v0, vm1, $0x38;
	[tilespmem:$0x1F3E0] =	vst v63  }
0x4f: {  	s12 =	sshll.u32 s12, $0x4;
	_ =	swait.ge [sflag:s5], $0xF800  }
0x50: {  	s12 =	sadd.s32 s12, s8;
	[sflag:s5] =	ssyncset.done $0x0  }
0x51: {  	s16 =	sadd.s32 $0x0, s12;
	s15 =	simm.s32 $0x80;
	[sflag:s5] =	ssyncadd.s32 $0xFFFF0800  }
.LBB2_5:
0x52: {  	[hbm:s16] =	stream.linear.scatter [tilespmem:s13], [sflag:$0x3], $0x400, $0x38;
	[tilespmem:$0x1F3E0] =	vst v63  }
0x53: {  	s16 =	smov.u32 s15;
	s13 =	smov.u32 s14;
	p2 =	sne.s32 s15, $0x1E80  }
.Ltmp4:
0x54: {  	s15 =	sadd.s32 $0x80, s15;
	(pc) =	sbr.rel @p2 .LBB2_5-.Ltmp4, $2  }
0x55: {  	_ =	sdelay $0x2  }
0x56: {  	s14 =	sadd.s32 $0x400, s14;
	s16 =	sadd.s32 s16, s12  }
.Ltmp5:
0x57: {  	_ = 	snop;
	(pc) =	sbr.rel .LBB2_6-.Ltmp5, $1  }
0x58: {  	_ =	sdelay $0x3  }
.LBB2_8:
0x59: {  	_ =	sfence.sel $0x180000  }
0x5a: {  	s0 =	simm.s32 $0x2;
	[bflag:$0x0] =	sbarrier.arrive $0xFFFF  }
0x5b: {  	s30 =	simm.s32 $0x3;
	[sflag:s0] =	ssyncpa.u1 $0x1  }
0x5c: {  	s31 =	simm.s32 $0x1;
	[sflag:s30] =	ssyncpa.u1 $0x1  }
0x5d: {  	[sflag:s31] =	ssyncpa.u1 $0x1  }
0x5e: {  	_ =	strace $0x90000047  }
0x5f: {  	s0 =	sadd.s32 @!p0 $0x100000, s1;
	[bflag:$0x2] =	sbarrier.arrive $0xFFFF  }
0x60: {  	[sflag:s0] =	ssyncadd.tile.s32 @!p0 $0x1;
	_ =	shalt  }
.Lfunc_end2:
_tile_overlayer_lowered:
.L_overlay_start_2:
0x61: {  	(tag) =	ssettag $0x2  }
0x62: {  	s0 =	rddreg [dreg:$0x0];
	s2 =	stileid.u32  }
0x63: {  	s1 =	rddreg [dreg:$0x1];
	p0 =	sne.s32 s2, $0x0  }
0x64: {  	s3 =	rddreg [dreg:$0x2];
	[bflag:$0x3] =	sbarrier.arrive $0xFFFF;
	s2 =	simm.s32 @!p0 $0x1C01  }
0x65: {  	[timem:s3], [sflag:s2] =	dma.local @!p0 [hbm:s0], s1  }
0x66: {  	s0 =	simm.s32 @!p0 $0x1  }
0x67: {  	_ =	swait.ge @!p0 [sflag:s0], s1  }
0x68: {  	s1 =	ssub.s32 @!p0 $0x0, s1;
	[sflag:s0] =	ssyncset.done @!p0 $0x0  }
0x69: {  	[sflag:s0] =	ssyncadd.s32 @!p0 s1  }
0x6a: {  	[bflag:$0x3] =	sbarrier.arrive $0xFFFF  }
0x6b: {  	_ =	shalt  }

</sc_bundles>
